<compile_context>
chip_gen: v7x
topology: tpu7x:2x2x1
jax: 0.10.2.dev20260603
libtpu: 0.0.44.dev20260713+nightly
codegen_flags: <defaults>
</compile_context>

<pallas_src>
import jax
import jax.numpy as jnp
from jax import lax
from jax.experimental import pallas as pl
from jax.experimental.pallas import tpu as pltpu
from jax.experimental.pallas import tpu_sc as plsc

N_NODES = 10000
D = 128
N_EDGES = 320000

NC = 2
NS = 16
NW = NC * NS

CHUNK = 128
CHUNKS = -(-N_EDGES // (NW * CHUNK))
EPAD = CHUNKS * CHUNK * NW

NPAD = 10240
ROWS_PER_TILE = NPAD // NS
BLK = 2000


def _sc_agg_body(x_hbm, src_hbm, dst_hbm, out_hbm, src_v, dst_v, rows_v,
                 agg_sh):
    c = lax.axis_index("c")
    s = lax.axis_index("s")
    wid = s * NC + c

    z = jnp.zeros((16,), jnp.float32)

    def zrow(i, carry):
        for j in range(8):
            rows_v[i, pl.ds(j * 16, 16)] = z
        return carry

    lax.fori_loop(0, CHUNK, zrow, 0)
    for k in range(ROWS_PER_TILE // CHUNK):
        pltpu.sync_copy(rows_v, agg_sh.at[pl.ds(s * ROWS_PER_TILE + k * CHUNK,
                                                CHUNK)])
    plsc.subcore_barrier()

    pltpu.sync_copy(src_hbm.at[wid], src_v)
    pltpu.sync_copy(dst_hbm.at[wid], dst_v)

    def edge_chunk(j, carry):
        pltpu.sync_copy(x_hbm.at[src_v.at[j]], rows_v)
        pltpu.sync_copy(rows_v, agg_sh.at[dst_v.at[j]], add=True)
        return carry

    lax.fori_loop(0, CHUNKS, edge_chunk, 0)
    plsc.subcore_barrier()

    pltpu.sync_copy(agg_sh.at[pl.ds(s * ROWS_PER_TILE, ROWS_PER_TILE)],
                    out_hbm.at[c, pl.ds(s * ROWS_PER_TILE, ROWS_PER_TILE)])


_sc_agg = pl.kernel(
    _sc_agg_body,
    out_type=jax.ShapeDtypeStruct((NC, NPAD, D), jnp.float32),
    mesh=plsc.VectorSubcoreMesh(core_axis_name="c", subcore_axis_name="s"),
    scratch_types=[
        pltpu.VMEM((CHUNKS, CHUNK), jnp.int32),
        pltpu.VMEM((CHUNKS, CHUNK), jnp.int32),
        pltpu.VMEM((CHUNK, D), jnp.float32),
        pltpu.VMEM_SHARED((NPAD, D), jnp.float32),
    ],
)


def _tc_mlp_body(x_ref, agg_ref, wa_ref, ba_ref, wb_ref, bb_ref, o_ref):
    h = x_ref[...] + agg_ref[0] + agg_ref[1]
    h = jnp.maximum(jnp.dot(h, wa_ref[...],
                            preferred_element_type=jnp.float32) + ba_ref[...],
                    0.0)
    h = jnp.maximum(jnp.dot(h, wb_ref[...],
                            preferred_element_type=jnp.float32) + bb_ref[...],
                    0.0)
    o_ref[...] = h


_tc_mlp = pl.pallas_call(
    _tc_mlp_body,
    grid=(N_NODES // BLK,),
    in_specs=[
        pl.BlockSpec((BLK, D), lambda i: (i, 0)),
        pl.BlockSpec((NC, BLK, D), lambda i: (0, i, 0)),
        pl.BlockSpec((D, D), lambda i: (0, 0)),
        pl.BlockSpec((1, D), lambda i: (0, 0)),
        pl.BlockSpec((D, D), lambda i: (0, 0)),
        pl.BlockSpec((1, D), lambda i: (0, 0)),
    ],
    out_specs=pl.BlockSpec((BLK, D), lambda i: (i, 0)),
    out_shape=jax.ShapeDtypeStruct((N_NODES, D), jnp.float32),
)


@jax.jit
def kernel(x, edge_index, W1a, b1a, W1b, b1b, W2a, b2a, W2b, b2b):
    src = jnp.concatenate([edge_index[0].astype(jnp.int32),
                           jnp.zeros((EPAD - N_EDGES,), jnp.int32)])
    dst = jnp.concatenate([edge_index[1].astype(jnp.int32),
                           jnp.full((EPAD - N_EDGES,), NPAD - 1, jnp.int32)])
    src = src.reshape(NW, CHUNKS, CHUNK)
    dst = dst.reshape(NW, CHUNKS, CHUNK)

    agg1 = _sc_agg(x, src, dst)
    h1 = _tc_mlp(x, agg1, W1a, b1a.reshape(1, D), W1b, b1b.reshape(1, D))
    agg2 = _sc_agg(h1, src, dst)
    return _tc_mlp(h1, agg2, W2a, b2a.reshape(1, D), W2b, b2b.reshape(1, D))

# --- scband reference (transcript-rebuilt; emitter-appended) ---
"""Pipeline reference for scband-graph-net-48000554500654 (READ-ONLY COPY).

The authoritative reference and input builder live on the scoring server;
editing this copy changes nothing except your own understanding.
"""

import jax, jax.numpy as jnp
import numpy as np

N_NODES = 10000
D = 128
N_EDGES = 320000


def setup_inputs(seed: int = 0) -> dict:
    key = jax.random.key(seed)
    ks = jax.random.split(key, 10)
    x = jax.random.normal(ks[0], (N_NODES, D), dtype=jnp.float32)
    edge_index = jax.random.randint(ks[1], (2, N_EDGES), 0, N_NODES, dtype=jnp.int64)
    s = 0.05
    W1a = jax.random.normal(ks[2], (D, D), dtype=jnp.float32) * s
    b1a = jnp.zeros((D,), dtype=jnp.float32)
    W1b = jax.random.normal(ks[3], (D, D), dtype=jnp.float32) * s
    b1b = jnp.zeros((D,), dtype=jnp.float32)
    W2a = jax.random.normal(ks[4], (D, D), dtype=jnp.float32) * s
    b2a = jnp.zeros((D,), dtype=jnp.float32)
    W2b = jax.random.normal(ks[5], (D, D), dtype=jnp.float32) * s
    b2b = jnp.zeros((D,), dtype=jnp.float32)
    return {"x": x, "edge_index": edge_index,
            "W1a": W1a, "b1a": b1a, "W1b": W1b, "b1b": b1b,
            "W2a": W2a, "b2a": b2a, "W2b": W2b, "b2b": b2b}


def _gin_conv(x, edge_index, Wa, ba, Wb, bb):
    # GINConv (eps=0, default): out = mlp((1+eps)*x + sum_{j->i} x_j)
    src = edge_index[0]
    dst = edge_index[1]
    msgs = jnp.take(x, src, axis=0)  # gather source node features
    agg = jax.ops.segment_sum(msgs, dst, num_segments=x.shape[0])  # scatter-add to dst
    h = x + agg
    h = h @ Wa + ba
    h = jnp.maximum(h, 0.0)
    h = h @ Wb + bb
    return h


def reference(x, edge_index, W1a, b1a, W1b, b1b, W2a, b2a, W2b, b2b):
    # GraphNet.forward: two GIN layers, each followed by ReLU
    h = jnp.maximum(_gin_conv(x, edge_index, W1a, b1a, W1b, b1b), 0.0)
    out = jnp.maximum(_gin_conv(h, edge_index, W2a, b2a, W2b, b2b), 0.0)
    return out

if __name__ == "__main__":
    import jax
    _d = setup_inputs()
    print(jax.jit(kernel)(*tuple(_d.values())))

</pallas_src>

<mosaic_0001>
#map = affine_map<(d0, d1) -> (0, 0)>
#map1 = affine_map<(d0, d1) -> (0, 0, 0)>
module attributes {stable_mosaic.version = 14 : i64} {
  func.func @_sc_agg_body(%arg0: i32, %arg1: i32, %arg2: memref<10000x128xf32, #tpu.memory_space<hbm>>, %arg3: memref<32x79x128xi32, #tpu.memory_space<hbm>>, %arg4: memref<32x79x128xi32, #tpu.memory_space<hbm>>, %arg5: memref<2x10240x128xf32, #tpu.memory_space<hbm>>, %arg6: memref<79x128xi32, #tpu.memory_space<vmem>>, %arg7: memref<79x128xi32, #tpu.memory_space<vmem>>, %arg8: memref<128x128xf32, #tpu.memory_space<vmem>>, %arg9: memref<10240x128xf32, #tpu.memory_space<vmem_shared>>) attributes {dimension_semantics = [#tpu.dimension_semantics<core_parallel>, #tpu.dimension_semantics<subcore_parallel>], iteration_bounds = array<i64: 2, 16>, scalar_prefetch = 0 : i64, scratch_operands = 4 : i64, tpu.core_type = #tpu.core_type<sc_vector_subcore>, window_params = [{transform_indices = #map}, {transform_indices = #map1}, {transform_indices = #map1}, {transform_indices = #map1}]} {
    %mul3A = arith.constant 2 : i32
    %mul3A_0 = arith.muli %arg1, %mul3A : i32
    %add3A = arith.addi %mul3A_0, %arg0 : i32
    %broadcast_in_dim3A = arith.constant 0.000000e+00 : f32
    %broadcast_in_dim3A_1 = vector.broadcast %broadcast_in_dim3A : f32 to vector<16xf32>
    %scan3A = arith.constant 0 : i32
    %scan3A_2 = arith.constant 0 : i32
    %scan3A_3 = arith.constant 128 : i32
    %scan3A_4 = arith.addi %scan3A_2, %scan3A_3 : i32
    %scan3A_5 = arith.constant 1 : i32
    scf.for %scan3A_38 = %scan3A_2 to %scan3A_4 step %scan3A_5  : i32 {
      %swap3A = arith.index_cast %scan3A_38 : i32 to index
      %swap3A_39 = arith.constant 0 : index
      %swap3A_40 = tpu.vector_load %arg8[%swap3A, %swap3A_39] {strides = array<i32>} : memref<128x128xf32, #tpu.memory_space<vmem>>, vector<1x16xf32>,
      %swap3A_41 = vector.shape_cast %swap3A_40 : vector<1x16xf32> to vector<16xf32>
      %swap3A_42 = vector.shape_cast %broadcast_in_dim3A_1 : vector<16xf32> to vector<1x16xf32>
      tpu.vector_store %arg8[%swap3A, %swap3A_39], %swap3A_42 {strides = array<i32>} : memref<128x128xf32, #tpu.memory_space<vmem>>, vector<1x16xf32>,
      %swap3A_43 = arith.index_cast %scan3A_38 : i32 to index
      %swap3A_44 = arith.constant 16 : index
      %swap3A_45 = tpu.vector_load %arg8[%swap3A_43, %swap3A_44] {strides = array<i32>} : memref<128x128xf32, #tpu.memory_space<vmem>>, vector<1x16xf32>,
      %swap3A_46 = vector.shape_cast %swap3A_45 : vector<1x16xf32> to vector<16xf32>
      %swap3A_47 = vector.shape_cast %broadcast_in_dim3A_1 : vector<16xf32> to vector<1x16xf32>
      tpu.vector_store %arg8[%swap3A_43, %swap3A_44], %swap3A_47 {strides = array<i32>} : memref<128x128xf32, #tpu.memory_space<vmem>>, vector<1x16xf32>,
      %swap3A_48 = arith.index_cast %scan3A_38 : i32 to index
      %swap3A_49 = arith.constant 32 : index
      %swap3A_50 = tpu.vector_load %arg8[%swap3A_48, %swap3A_49] {strides = array<i32>} : memref<128x128xf32, #tpu.memory_space<vmem>>, vector<1x16xf32>,
      %swap3A_51 = vector.shape_cast %swap3A_50 : vector<1x16xf32> to vector<16xf32>
      %swap3A_52 = vector.shape_cast %broadcast_in_dim3A_1 : vector<16xf32> to vector<1x16xf32>
      tpu.vector_store %arg8[%swap3A_48, %swap3A_49], %swap3A_52 {strides = array<i32>} : memref<128x128xf32, #tpu.memory_space<vmem>>, vector<1x16xf32>,
      %swap3A_53 = arith.index_cast %scan3A_38 : i32 to index
      %swap3A_54 = arith.constant 48 : index
      %swap3A_55 = tpu.vector_load %arg8[%swap3A_53, %swap3A_54] {strides = array<i32>} : memref<128x128xf32, #tpu.memory_space<vmem>>, vector<1x16xf32>,
      %swap3A_56 = vector.shape_cast %swap3A_55 : vector<1x16xf32> to vector<16xf32>
      %swap3A_57 = vector.shape_cast %broadcast_in_dim3A_1 : vector<16xf32> to vector<1x16xf32>
      tpu.vector_store %arg8[%swap3A_53, %swap3A_54], %swap3A_57 {strides = array<i32>} : memref<128x128xf32, #tpu.memory_space<vmem>>, vector<1x16xf32>,
      %swap3A_58 = arith.index_cast %scan3A_38 : i32 to index
      %swap3A_59 = arith.constant 64 : index
      %swap3A_60 = tpu.vector_load %arg8[%swap3A_58, %swap3A_59] {strides = array<i32>} : memref<128x128xf32, #tpu.memory_space<vmem>>, vector<1x16xf32>,
      %swap3A_61 = vector.shape_cast %swap3A_60 : vector<1x16xf32> to vector<16xf32>
      %swap3A_62 = vector.shape_cast %broadcast_in_dim3A_1 : vector<16xf32> to vector<1x16xf32>
      tpu.vector_store %arg8[%swap3A_58, %swap3A_59], %swap3A_62 {strides = array<i32>} : memref<128x128xf32, #tpu.memory_space<vmem>>, vector<1x16xf32>,
      %swap3A_63 = arith.index_cast %scan3A_38 : i32 to index
      %swap3A_64 = arith.constant 80 : index
      %swap3A_65 = tpu.vector_load %arg8[%swap3A_63, %swap3A_64] {strides = array<i32>} : memref<128x128xf32, #tpu.memory_space<vmem>>, vector<1x16xf32>,
      %swap3A_66 = vector.shape_cast %swap3A_65 : vector<1x16xf32> to vector<16xf32>
      %swap3A_67 = vector.shape_cast %broadcast_in_dim3A_1 : vector<16xf32> to vector<1x16xf32>
      tpu.vector_store %arg8[%swap3A_63, %swap3A_64], %swap3A_67 {strides = array<i32>} : memref<128x128xf32, #tpu.memory_space<vmem>>, vector<1x16xf32>,
      %swap3A_68 = arith.index_cast %scan3A_38 : i32 to index
      %swap3A_69 = arith.constant 96 : index
      %swap3A_70 = tpu.vector_load %arg8[%swap3A_68, %swap3A_69] {strides = array<i32>} : memref<128x128xf32, #tpu.memory_space<vmem>>, vector<1x16xf32>,
      %swap3A_71 = vector.shape_cast %swap3A_70 : vector<1x16xf32> to vector<16xf32>
      %swap3A_72 = vector.shape_cast %broadcast_in_dim3A_1 : vector<16xf32> to vector<1x16xf32>
      tpu.vector_store %arg8[%swap3A_68, %swap3A_69], %swap3A_72 {strides = array<i32>} : memref<128x128xf32, #tpu.memory_space<vmem>>, vector<1x16xf32>,
      %swap3A_73 = arith.index_cast %scan3A_38 : i32 to index
      %swap3A_74 = arith.constant 112 : index
      %swap3A_75 = tpu.vector_load %arg8[%swap3A_73, %swap3A_74] {strides = array<i32>} : memref<128x128xf32, #tpu.memory_space<vmem>>, vector<1x16xf32>,
      %swap3A_76 = vector.shape_cast %swap3A_75 : vector<1x16xf32> to vector<16xf32>
      %swap3A_77 = vector.shape_cast %broadcast_in_dim3A_1 : vector<16xf32> to vector<1x16xf32>
      tpu.vector_store %arg8[%swap3A_73, %swap3A_74], %swap3A_77 {strides = array<i32>} : memref<128x128xf32, #tpu.memory_space<vmem>>, vector<1x16xf32>,
    }
    %scan3A_6 = arith.constant 128 : i32
    %mul3A_7 = arith.constant 640 : i32
    %mul3A_8 = arith.muli %arg1, %mul3A_7 : i32
    %add3A_9 = arith.constant 0 : i32
    %add3A_10 = arith.addi %mul3A_8, %add3A_9 : i32
    "tpu.region"() ({
      %run_scoped3A = tpu.sem_alloc : memref<!tpu.dma_semaphore, #tpu.memory_space<semaphore_mem>>
      %dma_start3A = arith.constant 0 : i32
      %dma_start3A_38 = tpu.memref_slice %arg9[%add3A_10, %dma_start3A] : memref<10240x128xf32, #tpu.memory_space<vmem_shared>> -> memref<128x128xf32, #tpu.memory_space<vmem_shared>>
      %dma_start3A_39 = arith.constant 0 : i32
      %dma_start3A_40 = tpu.memref_slice %arg9[%add3A_10, %dma_start3A_39] : memref<10240x128xf32, #tpu.memory_space<vmem_shared>> -> memref<128x128xf32, #tpu.memory_space<vmem_shared>>
      tpu.enqueue_dma source(%arg8 : memref<128x128xf32, #tpu.memory_space<vmem>>) target(%dma_start3A_40 : memref<128x128xf32, #tpu.memory_space<vmem_shared>>) target_semaphore(%run_scoped3A : memref<!tpu.dma_semaphore, #tpu.memory_space<semaphore_mem>>)
      %dma_wait3A = arith.constant 0 : i32
      %dma_wait3A_41 = tpu.memref_slice %arg9[%add3A_10, %dma_wait3A] : memref<10240x128xf32, #tpu.memory_space<vmem_shared>> -> memref<128x128xf32, #tpu.memory_space<vmem_shared>>
      %dma_wait3A_42 = arith.constant 0 : i32
      %dma_wait3A_43 = tpu.memref_slice %arg9[%add3A_10, %dma_wait3A_42] : memref<10240x128xf32, #tpu.memory_space<vmem_shared>> -> memref<128x128xf32, #tpu.memory_space<vmem_shared>>
      tpu.wait_dma2 semaphore(%run_scoped3A : memref<!tpu.dma_semaphore, #tpu.memory_space<semaphore_mem>>) src(%arg8 : memref<128x128xf32, #tpu.memory_space<vmem>>) dst(%dma_wait3A_43 : memref<128x128xf32, #tpu.memory_space<vmem_shared>>)
      tpu.yield
    }) : () -> ()
    %mul3A_11 = arith.constant 640 : i32
    %mul3A_12 = arith.muli %arg1, %mul3A_11 : i32
    %add3A_13 = arith.constant 128 : i32
    %add3A_14 = arith.addi %mul3A_12, %add3A_13 : i32
    "tpu.region"() ({
      %run_scoped3A = tpu.sem_alloc : memref<!tpu.dma_semaphore, #tpu.memory_space<semaphore_mem>>
      %dma_start3A = arith.constant 0 : i32
      %dma_start3A_38 = tpu.memref_slice %arg9[%add3A_14, %dma_start3A] : memref<10240x128xf32, #tpu.memory_space<vmem_shared>> -> memref<128x128xf32, #tpu.memory_space<vmem_shared>>
      %dma_start3A_39 = arith.constant 0 : i32
      %dma_start3A_40 = tpu.memref_slice %arg9[%add3A_14, %dma_start3A_39] : memref<10240x128xf32, #tpu.memory_space<vmem_shared>> -> memref<128x128xf32, #tpu.memory_space<vmem_shared>>
      tpu.enqueue_dma source(%arg8 : memref<128x128xf32, #tpu.memory_space<vmem>>) target(%dma_start3A_40 : memref<128x128xf32, #tpu.memory_space<vmem_shared>>) target_semaphore(%run_scoped3A : memref<!tpu.dma_semaphore, #tpu.memory_space<semaphore_mem>>)
      %dma_wait3A = arith.constant 0 : i32
      %dma_wait3A_41 = tpu.memref_slice %arg9[%add3A_14, %dma_wait3A] : memref<10240x128xf32, #tpu.memory_space<vmem_shared>> -> memref<128x128xf32, #tpu.memory_space<vmem_shared>>
      %dma_wait3A_42 = arith.constant 0 : i32
      %dma_wait3A_43 = tpu.memref_slice %arg9[%add3A_14, %dma_wait3A_42] : memref<10240x128xf32, #tpu.memory_space<vmem_shared>> -> memref<128x128xf32, #tpu.memory_space<vmem_shared>>
      tpu.wait_dma2 semaphore(%run_scoped3A : memref<!tpu.dma_semaphore, #tpu.memory_space<semaphore_mem>>) src(%arg8 : memref<128x128xf32, #tpu.memory_space<vmem>>) dst(%dma_wait3A_43 : memref<128x128xf32, #tpu.memory_space<vmem_shared>>)
      tpu.yield
    }) : () -> ()
    %mul3A_15 = arith.constant 640 : i32
    %mul3A_16 = arith.muli %arg1, %mul3A_15 : i32
    %add3A_17 = arith.constant 256 : i32
    %add3A_18 = arith.addi %mul3A_16, %add3A_17 : i32
    "tpu.region"() ({
      %run_scoped3A = tpu.sem_alloc : memref<!tpu.dma_semaphore, #tpu.memory_space<semaphore_mem>>
      %dma_start3A = arith.constant 0 : i32
      %dma_start3A_38 = tpu.memref_slice %arg9[%add3A_18, %dma_start3A] : memref<10240x128xf32, #tpu.memory_space<vmem_shared>> -> memref<128x128xf32, #tpu.memory_space<vmem_shared>>
      %dma_start3A_39 = arith.constant 0 : i32
      %dma_start3A_40 = tpu.memref_slice %arg9[%add3A_18, %dma_start3A_39] : memref<10240x128xf32, #tpu.memory_space<vmem_shared>> -> memref<128x128xf32, #tpu.memory_space<vmem_shared>>
      tpu.enqueue_dma source(%arg8 : memref<128x128xf32, #tpu.memory_space<vmem>>) target(%dma_start3A_40 : memref<128x128xf32, #tpu.memory_space<vmem_shared>>) target_semaphore(%run_scoped3A : memref<!tpu.dma_semaphore, #tpu.memory_space<semaphore_mem>>)
      %dma_wait3A = arith.constant 0 : i32
      %dma_wait3A_41 = tpu.memref_slice %arg9[%add3A_18, %dma_wait3A] : memref<10240x128xf32, #tpu.memory_space<vmem_shared>> -> memref<128x128xf32, #tpu.memory_space<vmem_shared>>
      %dma_wait3A_42 = arith.constant 0 : i32
      %dma_wait3A_43 = tpu.memref_slice %arg9[%add3A_18, %dma_wait3A_42] : memref<10240x128xf32, #tpu.memory_space<vmem_shared>> -> memref<128x128xf32, #tpu.memory_space<vmem_shared>>
      tpu.wait_dma2 semaphore(%run_scoped3A : memref<!tpu.dma_semaphore, #tpu.memory_space<semaphore_mem>>) src(%arg8 : memref<128x128xf32, #tpu.memory_space<vmem>>) dst(%dma_wait3A_43 : memref<128x128xf32, #tpu.memory_space<vmem_shared>>)
      tpu.yield
    }) : () -> ()
    %mul3A_19 = arith.constant 640 : i32
    %mul3A_20 = arith.muli %arg1, %mul3A_19 : i32
    %add3A_21 = arith.constant 384 : i32
    %add3A_22 = arith.addi %mul3A_20, %add3A_21 : i32
    "tpu.region"() ({
      %run_scoped3A = tpu.sem_alloc : memref<!tpu.dma_semaphore, #tpu.memory_space<semaphore_mem>>
      %dma_start3A = arith.constant 0 : i32
      %dma_start3A_38 = tpu.memref_slice %arg9[%add3A_22, %dma_start3A] : memref<10240x128xf32, #tpu.memory_space<vmem_shared>> -> memref<128x128xf32, #tpu.memory_space<vmem_shared>>
      %dma_start3A_39 = arith.constant 0 : i32
      %dma_start3A_40 = tpu.memref_slice %arg9[%add3A_22, %dma_start3A_39] : memref<10240x128xf32, #tpu.memory_space<vmem_shared>> -> memref<128x128xf32, #tpu.memory_space<vmem_shared>>
      tpu.enqueue_dma source(%arg8 : memref<128x128xf32, #tpu.memory_space<vmem>>) target(%dma_start3A_40 : memref<128x128xf32, #tpu.memory_space<vmem_shared>>) target_semaphore(%run_scoped3A : memref<!tpu.dma_semaphore, #tpu.memory_space<semaphore_mem>>)
      %dma_wait3A = arith.constant 0 : i32
      %dma_wait3A_41 = tpu.memref_slice %arg9[%add3A_22, %dma_wait3A] : memref<10240x128xf32, #tpu.memory_space<vmem_shared>> -> memref<128x128xf32, #tpu.memory_space<vmem_shared>>
      %dma_wait3A_42 = arith.constant 0 : i32
      %dma_wait3A_43 = tpu.memref_slice %arg9[%add3A_22, %dma_wait3A_42] : memref<10240x128xf32, #tpu.memory_space<vmem_shared>> -> memref<128x128xf32, #tpu.memory_space<vmem_shared>>
      tpu.wait_dma2 semaphore(%run_scoped3A : memref<!tpu.dma_semaphore, #tpu.memory_space<semaphore_mem>>) src(%arg8 : memref<128x128xf32, #tpu.memory_space<vmem>>) dst(%dma_wait3A_43 : memref<128x128xf32, #tpu.memory_space<vmem_shared>>)
      tpu.yield
    }) : () -> ()
    %mul3A_23 = arith.constant 640 : i32
    %mul3A_24 = arith.muli %arg1, %mul3A_23 : i32
    %add3A_25 = arith.constant 512 : i32
    %add3A_26 = arith.addi %mul3A_24, %add3A_25 : i32
    "tpu.region"() ({
      %run_scoped3A = tpu.sem_alloc : memref<!tpu.dma_semaphore, #tpu.memory_space<semaphore_mem>>
      %dma_start3A = arith.constant 0 : i32
      %dma_start3A_38 = tpu.memref_slice %arg9[%add3A_26, %dma_start3A] : memref<10240x128xf32, #tpu.memory_space<vmem_shared>> -> memref<128x128xf32, #tpu.memory_space<vmem_shared>>
      %dma_start3A_39 = arith.constant 0 : i32
      %dma_start3A_40 = tpu.memref_slice %arg9[%add3A_26, %dma_start3A_39] : memref<10240x128xf32, #tpu.memory_space<vmem_shared>> -> memref<128x128xf32, #tpu.memory_space<vmem_shared>>
      tpu.enqueue_dma source(%arg8 : memref<128x128xf32, #tpu.memory_space<vmem>>) target(%dma_start3A_40 : memref<128x128xf32, #tpu.memory_space<vmem_shared>>) target_semaphore(%run_scoped3A : memref<!tpu.dma_semaphore, #tpu.memory_space<semaphore_mem>>)
      %dma_wait3A = arith.constant 0 : i32
      %dma_wait3A_41 = tpu.memref_slice %arg9[%add3A_26, %dma_wait3A] : memref<10240x128xf32, #tpu.memory_space<vmem_shared>> -> memref<128x128xf32, #tpu.memory_space<vmem_shared>>
      %dma_wait3A_42 = arith.constant 0 : i32
      %dma_wait3A_43 = tpu.memref_slice %arg9[%add3A_26, %dma_wait3A_42] : memref<10240x128xf32, #tpu.memory_space<vmem_shared>> -> memref<128x128xf32, #tpu.memory_space<vmem_shared>>
      tpu.wait_dma2 semaphore(%run_scoped3A : memref<!tpu.dma_semaphore, #tpu.memory_space<semaphore_mem>>) src(%arg8 : memref<128x128xf32, #tpu.memory_space<vmem>>) dst(%dma_wait3A_43 : memref<128x128xf32, #tpu.memory_space<vmem_shared>>)
      tpu.yield
    }) : () -> ()
    %barrier3A = arith.constant 0 : index
    tpu.barrier barrier_id(%barrier3A)
    "tpu.region"() ({
      %run_scoped3A = tpu.sem_alloc : memref<!tpu.dma_semaphore, #tpu.memory_space<semaphore_mem>>
      %dma_start3A = arith.constant 0 : i32
      %dma_start3A_38 = arith.constant 0 : i32
      %dma_start3A_39 = tpu.memref_slice %arg3[%add3A, %dma_start3A, %dma_start3A_38] : memref<32x79x128xi32, #tpu.memory_space<hbm>> -> memref<1x79x128xi32, #tpu.memory_space<hbm>>
      %dma_start3A_40 = tpu.memref_squeeze %dma_start3A_39 : memref<1x79x128xi32, #tpu.memory_space<hbm>> -> memref<79x128xi32, #tpu.memory_space<hbm>>
      %dma_start3A_41 = arith.constant 0 : i32
      %dma_start3A_42 = arith.constant 0 : i32
      %dma_start3A_43 = tpu.memref_slice %arg3[%add3A, %dma_start3A_41, %dma_start3A_42] : memref<32x79x128xi32, #tpu.memory_space<hbm>> -> memref<1x79x128xi32, #tpu.memory_space<hbm>>
      %dma_start3A_44 = tpu.memref_squeeze %dma_start3A_43 : memref<1x79x128xi32, #tpu.memory_space<hbm>> -> memref<79x128xi32, #tpu.memory_space<hbm>>
      tpu.enqueue_dma source(%dma_start3A_44 : memref<79x128xi32, #tpu.memory_space<hbm>>) target(%arg6 : memref<79x128xi32, #tpu.memory_space<vmem>>) target_semaphore(%run_scoped3A : memref<!tpu.dma_semaphore, #tpu.memory_space<semaphore_mem>>)
      %dma_wait3A = arith.constant 0 : i32
      %dma_wait3A_45 = arith.constant 0 : i32
      %dma_wait3A_46 = tpu.memref_slice %arg3[%add3A, %dma_wait3A, %dma_wait3A_45] : memref<32x79x128xi32, #tpu.memory_space<hbm>> -> memref<1x79x128xi32, #tpu.memory_space<hbm>>
      %dma_wait3A_47 = tpu.memref_squeeze %dma_wait3A_46 : memref<1x79x128xi32, #tpu.memory_space<hbm>> -> memref<79x128xi32, #tpu.memory_space<hbm>>
      %dma_wait3A_48 = arith.constant 0 : i32
      %dma_wait3A_49 = arith.constant 0 : i32
      %dma_wait3A_50 = tpu.memref_slice %arg3[%add3A, %dma_wait3A_48, %dma_wait3A_49] : memref<32x79x128xi32, #tpu.memory_space<hbm>> -> memref<1x79x128xi32, #tpu.memory_space<hbm>>
      %dma_wait3A_51 = tpu.memref_squeeze %dma_wait3A_50 : memref<1x79x128xi32, #tpu.memory_space<hbm>> -> memref<79x128xi32, #tpu.memory_space<hbm>>
      tpu.wait_dma2 semaphore(%run_scoped3A : memref<!tpu.dma_semaphore, #tpu.memory_space<semaphore_mem>>) src(%dma_wait3A_51 : memref<79x128xi32, #tpu.memory_space<hbm>>) dst(%arg6 : memref<79x128xi32, #tpu.memory_space<vmem>>)
      tpu.yield
    }) : () -> ()
    "tpu.region"() ({
      %run_scoped3A = tpu.sem_alloc : memref<!tpu.dma_semaphore, #tpu.memory_space<semaphore_mem>>
      %dma_start3A = arith.constant 0 : i32
      %dma_start3A_38 = arith.constant 0 : i32
      %dma_start3A_39 = tpu.memref_slice %arg4[%add3A, %dma_start3A, %dma_start3A_38] : memref<32x79x128xi32, #tpu.memory_space<hbm>> -> memref<1x79x128xi32, #tpu.memory_space<hbm>>
      %dma_start3A_40 = tpu.memref_squeeze %dma_start3A_39 : memref<1x79x128xi32, #tpu.memory_space<hbm>> -> memref<79x128xi32, #tpu.memory_space<hbm>>
      %dma_start3A_41 = arith.constant 0 : i32
      %dma_start3A_42 = arith.constant 0 : i32
      %dma_start3A_43 = tpu.memref_slice %arg4[%add3A, %dma_start3A_41, %dma_start3A_42] : memref<32x79x128xi32, #tpu.memory_space<hbm>> -> memref<1x79x128xi32, #tpu.memory_space<hbm>>
      %dma_start3A_44 = tpu.memref_squeeze %dma_start3A_43 : memref<1x79x128xi32, #tpu.memory_space<hbm>> -> memref<79x128xi32, #tpu.memory_space<hbm>>
      tpu.enqueue_dma source(%dma_start3A_44 : memref<79x128xi32, #tpu.memory_space<hbm>>) target(%arg7 : memref<79x128xi32, #tpu.memory_space<vmem>>) target_semaphore(%run_scoped3A : memref<!tpu.dma_semaphore, #tpu.memory_space<semaphore_mem>>)
      %dma_wait3A = arith.constant 0 : i32
      %dma_wait3A_45 = arith.constant 0 : i32
      %dma_wait3A_46 = tpu.memref_slice %arg4[%add3A, %dma_wait3A, %dma_wait3A_45] : memref<32x79x128xi32, #tpu.memory_space<hbm>> -> memref<1x79x128xi32, #tpu.memory_space<hbm>>
      %dma_wait3A_47 = tpu.memref_squeeze %dma_wait3A_46 : memref<1x79x128xi32, #tpu.memory_space<hbm>> -> memref<79x128xi32, #tpu.memory_space<hbm>>
      %dma_wait3A_48 = arith.constant 0 : i32
      %dma_wait3A_49 = arith.constant 0 : i32
      %dma_wait3A_50 = tpu.memref_slice %arg4[%add3A, %dma_wait3A_48, %dma_wait3A_49] : memref<32x79x128xi32, #tpu.memory_space<hbm>> -> memref<1x79x128xi32, #tpu.memory_space<hbm>>
      %dma_wait3A_51 = tpu.memref_squeeze %dma_wait3A_50 : memref<1x79x128xi32, #tpu.memory_space<hbm>> -> memref<79x128xi32, #tpu.memory_space<hbm>>
      tpu.wait_dma2 semaphore(%run_scoped3A : memref<!tpu.dma_semaphore, #tpu.memory_space<semaphore_mem>>) src(%dma_wait3A_51 : memref<79x128xi32, #tpu.memory_space<hbm>>) dst(%arg7 : memref<79x128xi32, #tpu.memory_space<vmem>>)
      tpu.yield
    }) : () -> ()
    %scan3A_27 = arith.constant 0 : i32
    %scan3A_28 = arith.constant 0 : i32
    %scan3A_29 = arith.constant 79 : i32
    %scan3A_30 = arith.addi %scan3A_28, %scan3A_29 : i32
    %scan3A_31 = arith.constant 1 : i32
    scf.for %scan3A_38 = %scan3A_28 to %scan3A_30 step %scan3A_31  : i32 {
      "tpu.region"() ({
        %run_scoped3A = tpu.sem_alloc : memref<!tpu.dma_semaphore, #tpu.memory_space<semaphore_mem>>
        %dma_start3A = arith.constant 0 : i32
        %dma_start3A_39 = tpu.memref_slice %arg6[%scan3A_38, %dma_start3A] : memref<79x128xi32, #tpu.memory_space<vmem>> -> memref<1x128xi32, #tpu.memory_space<vmem>>
        %dma_start3A_40 = tpu.memref_squeeze %dma_start3A_39 : memref<1x128xi32, #tpu.memory_space<vmem>> -> memref<128xi32, #tpu.memory_space<vmem>>
        %dma_start3A_41 = arith.constant 0 : i32
        %dma_start3A_42 = arith.constant 0 : i32
        %dma_start3A_43 = tpu.memref_slice %arg2[%dma_start3A_41, %dma_start3A_42] : memref<10000x128xf32, #tpu.memory_space<hbm>> -> memref<10000x128xf32, #tpu.memory_space<hbm>>
        tpu.enqueue_indirect_dma source(%dma_start3A_43 : memref<10000x128xf32, #tpu.memory_space<hbm>>) target(%arg8 : memref<128x128xf32, #tpu.memory_space<vmem>>) offsets(%dma_start3A_40 : memref<128xi32, #tpu.memory_space<vmem>>) semaphore(%run_scoped3A : memref<!tpu.dma_semaphore, #tpu.memory_space<semaphore_mem>>)
        %dma_wait3A = arith.constant 0 : i32
        %dma_wait3A_44 = tpu.memref_slice %arg6[%scan3A_38, %dma_wait3A] : memref<79x128xi32, #tpu.memory_space<vmem>> -> memref<1x128xi32, #tpu.memory_space<vmem>>
        %dma_wait3A_45 = tpu.memref_squeeze %dma_wait3A_44 : memref<1x128xi32, #tpu.memory_space<vmem>> -> memref<128xi32, #tpu.memory_space<vmem>>
        %dma_wait3A_46 = arith.constant 0 : i32
        %dma_wait3A_47 = arith.constant 0 : i32
        %dma_wait3A_48 = tpu.memref_slice %arg2[%dma_wait3A_46, %dma_wait3A_47] : memref<10000x128xf32, #tpu.memory_space<hbm>> -> memref<10000x128xf32, #tpu.memory_space<hbm>>
        tpu.wait_indirect_dma semaphore(%run_scoped3A : memref<!tpu.dma_semaphore, #tpu.memory_space<semaphore_mem>>) src(%dma_wait3A_48 : memref<10000x128xf32, #tpu.memory_space<hbm>>) dst(%arg8 : memref<128x128xf32, #tpu.memory_space<vmem>>)
        tpu.yield
      }) : () -> ()
      "tpu.region"() ({
        %run_scoped3A = tpu.sem_alloc : memref<!tpu.dma_semaphore, #tpu.memory_space<semaphore_mem>>
        %dma_start3A = arith.constant 0 : i32
        %dma_start3A_39 = tpu.memref_slice %arg7[%scan3A_38, %dma_start3A] : memref<79x128xi32, #tpu.memory_space<vmem>> -> memref<1x128xi32, #tpu.memory_space<vmem>>
        %dma_start3A_40 = tpu.memref_squeeze %dma_start3A_39 : memref<1x128xi32, #tpu.memory_space<vmem>> -> memref<128xi32, #tpu.memory_space<vmem>>
        %dma_start3A_41 = arith.constant 0 : i32
        %dma_start3A_42 = arith.constant 0 : i32
        %dma_start3A_43 = tpu.memref_slice %arg9[%dma_start3A_41, %dma_start3A_42] : memref<10240x128xf32, #tpu.memory_space<vmem_shared>> -> memref<10240x128xf32, #tpu.memory_space<vmem_shared>>
        tpu.enqueue_indirect_dma source(%arg8 : memref<128x128xf32, #tpu.memory_space<vmem>>) target(%dma_start3A_43 : memref<10240x128xf32, #tpu.memory_space<vmem_shared>>) offsets(%dma_start3A_40 : memref<128xi32, #tpu.memory_space<vmem>>) semaphore(%run_scoped3A : memref<!tpu.dma_semaphore, #tpu.memory_space<semaphore_mem>>) {add = true}
        %dma_wait3A = arith.constant 0 : i32
        %dma_wait3A_44 = tpu.memref_slice %arg7[%scan3A_38, %dma_wait3A] : memref<79x128xi32, #tpu.memory_space<vmem>> -> memref<1x128xi32, #tpu.memory_space<vmem>>
        %dma_wait3A_45 = tpu.memref_squeeze %dma_wait3A_44 : memref<1x128xi32, #tpu.memory_space<vmem>> -> memref<128xi32, #tpu.memory_space<vmem>>
        %dma_wait3A_46 = arith.constant 0 : i32
        %dma_wait3A_47 = arith.constant 0 : i32
        %dma_wait3A_48 = tpu.memref_slice %arg9[%dma_wait3A_46, %dma_wait3A_47] : memref<10240x128xf32, #tpu.memory_space<vmem_shared>> -> memref<10240x128xf32, #tpu.memory_space<vmem_shared>>
        tpu.wait_indirect_dma semaphore(%run_scoped3A : memref<!tpu.dma_semaphore, #tpu.memory_space<semaphore_mem>>) src(%arg8 : memref<128x128xf32, #tpu.memory_space<vmem>>) dst(%dma_wait3A_48 : memref<10240x128xf32, #tpu.memory_space<vmem_shared>>)
        tpu.yield
      }) : () -> ()
    }
    %scan3A_32 = arith.constant 79 : i32
    %barrier3A_33 = arith.constant 0 : index
    tpu.barrier barrier_id(%barrier3A_33)
    %mul3A_34 = arith.constant 640 : i32
    %mul3A_35 = arith.muli %arg1, %mul3A_34 : i32
    %mul3A_36 = arith.constant 640 : i32
    %mul3A_37 = arith.muli %arg1, %mul3A_36 : i32
    "tpu.region"() ({
      %run_scoped3A = tpu.sem_alloc : memref<!tpu.dma_semaphore, #tpu.memory_space<semaphore_mem>>
      %dma_start3A = arith.constant 0 : i32
      %dma_start3A_38 = tpu.memref_slice %arg5[%arg0, %mul3A_37, %dma_start3A] : memref<2x10240x128xf32, #tpu.memory_space<hbm>> -> memref<1x640x128xf32, #tpu.memory_space<hbm>>
      %dma_start3A_39 = tpu.memref_squeeze %dma_start3A_38 : memref<1x640x128xf32, #tpu.memory_space<hbm>> -> memref<640x128xf32, #tpu.memory_space<hbm>>
      %dma_start3A_40 = arith.constant 0 : i32
      %dma_start3A_41 = tpu.memref_slice %arg9[%mul3A_35, %dma_start3A_40] : memref<10240x128xf32, #tpu.memory_space<vmem_shared>> -> memref<640x128xf32, #tpu.memory_space<vmem_shared>>
      tpu.enqueue_dma source(%dma_start3A_41 : memref<640x128xf32, #tpu.memory_space<vmem_shared>>) target(%dma_start3A_39 : memref<640x128xf32, #tpu.memory_space<hbm>>) target_semaphore(%run_scoped3A : memref<!tpu.dma_semaphore, #tpu.memory_space<semaphore_mem>>)
      %dma_wait3A = arith.constant 0 : i32
      %dma_wait3A_42 = tpu.memref_slice %arg5[%arg0, %mul3A_37, %dma_wait3A] : memref<2x10240x128xf32, #tpu.memory_space<hbm>> -> memref<1x640x128xf32, #tpu.memory_space<hbm>>
      %dma_wait3A_43 = tpu.memref_squeeze %dma_wait3A_42 : memref<1x640x128xf32, #tpu.memory_space<hbm>> -> memref<640x128xf32, #tpu.memory_space<hbm>>
      %dma_wait3A_44 = arith.constant 0 : i32
      %dma_wait3A_45 = tpu.memref_slice %arg9[%mul3A_35, %dma_wait3A_44] : memref<10240x128xf32, #tpu.memory_space<vmem_shared>> -> memref<640x128xf32, #tpu.memory_space<vmem_shared>>
      tpu.wait_dma2 semaphore(%run_scoped3A : memref<!tpu.dma_semaphore, #tpu.memory_space<semaphore_mem>>) src(%dma_wait3A_45 : memref<640x128xf32, #tpu.memory_space<vmem_shared>>) dst(%dma_wait3A_43 : memref<640x128xf32, #tpu.memory_space<hbm>>)
      tpu.yield
    }) : () -> ()
    return
  }
}

#map = affine_map<(d0, d1) -> (0, 0)>
#map1 = affine_map<(d0, d1) -> (0, 0, 0)>
module attributes {stable_mosaic.version = 14 : i64} {
  func.func @_sc_agg_body(%arg0: i32, %arg1: i32, %arg2: memref<10000x128xf32, #tpu.memory_space<hbm>>, %arg3: memref<32x79x128xi32, #tpu.memory_space<hbm>>, %arg4: memref<32x79x128xi32, #tpu.memory_space<hbm>>, %arg5: memref<2x10240x128xf32, #tpu.memory_space<hbm>>, %arg6: memref<79x128xi32, #tpu.memory_space<vmem>>, %arg7: memref<79x128xi32, #tpu.memory_space<vmem>>, %arg8: memref<128x128xf32, #tpu.memory_space<vmem>>, %arg9: memref<10240x128xf32, #tpu.memory_space<vmem_shared>>) attributes {dimension_semantics = [#tpu.dimension_semantics<core_parallel>, #tpu.dimension_semantics<subcore_parallel>], iteration_bounds = array<i64: 2, 16>, scalar_prefetch = 0 : i64, scratch_operands = 4 : i64, tpu.core_type = #tpu.core_type<sc_vector_subcore>, window_params = [{transform_indices = #map}, {transform_indices = #map1}, {transform_indices = #map1}, {transform_indices = #map1}]} {
    %mul3A = arith.constant 2 : i32
    %mul3A_0 = arith.muli %arg1, %mul3A : i32
    %add3A = arith.addi %mul3A_0, %arg0 : i32
    %broadcast_in_dim3A = arith.constant 0.000000e+00 : f32
    %broadcast_in_dim3A_1 = vector.broadcast %broadcast_in_dim3A : f32 to vector<16xf32>
    %scan3A = arith.constant 0 : i32
    %scan3A_2 = arith.constant 0 : i32
    %scan3A_3 = arith.constant 128 : i32
    %scan3A_4 = arith.addi %scan3A_2, %scan3A_3 : i32
    %scan3A_5 = arith.constant 1 : i32
    scf.for %scan3A_38 = %scan3A_2 to %scan3A_4 step %scan3A_5  : i32 {
      %swap3A = arith.index_cast %scan3A_38 : i32 to index
      %swap3A_39 = arith.constant 0 : index
      %swap3A_40 = tpu.vector_load %arg8[%swap3A, %swap3A_39] {strides = array<i32>} : memref<128x128xf32, #tpu.memory_space<vmem>>, vector<1x16xf32>,
      %swap3A_41 = vector.shape_cast %swap3A_40 : vector<1x16xf32> to vector<16xf32>
      %swap3A_42 = vector.shape_cast %broadcast_in_dim3A_1 : vector<16xf32> to vector<1x16xf32>
      tpu.vector_store %arg8[%swap3A, %swap3A_39], %swap3A_42 {strides = array<i32>} : memref<128x128xf32, #tpu.memory_space<vmem>>, vector<1x16xf32>,
      %swap3A_43 = arith.index_cast %scan3A_38 : i32 to index
      %swap3A_44 = arith.constant 16 : index
      %swap3A_45 = tpu.vector_load %arg8[%swap3A_43, %swap3A_44] {strides = array<i32>} : memref<128x128xf32, #tpu.memory_space<vmem>>, vector<1x16xf32>,
      %swap3A_46 = vector.shape_cast %swap3A_45 : vector<1x16xf32> to vector<16xf32>
      %swap3A_47 = vector.shape_cast %broadcast_in_dim3A_1 : vector<16xf32> to vector<1x16xf32>
      tpu.vector_store %arg8[%swap3A_43, %swap3A_44], %swap3A_47 {strides = array<i32>} : memref<128x128xf32, #tpu.memory_space<vmem>>, vector<1x16xf32>,
      %swap3A_48 = arith.index_cast %scan3A_38 : i32 to index
      %swap3A_49 = arith.constant 32 : index
      %swap3A_50 = tpu.vector_load %arg8[%swap3A_48, %swap3A_49] {strides = array<i32>} : memref<128x128xf32, #tpu.memory_space<vmem>>, vector<1x16xf32>,
      %swap3A_51 = vector.shape_cast %swap3A_50 : vector<1x16xf32> to vector<16xf32>
      %swap3A_52 = vector.shape_cast %broadcast_in_dim3A_1 : vector<16xf32> to vector<1x16xf32>
      tpu.vector_store %arg8[%swap3A_48, %swap3A_49], %swap3A_52 {strides = array<i32>} : memref<128x128xf32, #tpu.memory_space<vmem>>, vector<1x16xf32>,
      %swap3A_53 = arith.index_cast %scan3A_38 : i32 to index
      %swap3A_54 = arith.constant 48 : index
      %swap3A_55 = tpu.vector_load %arg8[%swap3A_53, %swap3A_54] {strides = array<i32>} : memref<128x128xf32, #tpu.memory_space<vmem>>, vector<1x16xf32>,
      %swap3A_56 = vector.shape_cast %swap3A_55 : vector<1x16xf32> to vector<16xf32>
      %swap3A_57 = vector.shape_cast %broadcast_in_dim3A_1 : vector<16xf32> to vector<1x16xf32>
      tpu.vector_store %arg8[%swap3A_53, %swap3A_54], %swap3A_57 {strides = array<i32>} : memref<128x128xf32, #tpu.memory_space<vmem>>, vector<1x16xf32>,
      %swap3A_58 = arith.index_cast %scan3A_38 : i32 to index
      %swap3A_59 = arith.constant 64 : index
      %swap3A_60 = tpu.vector_load %arg8[%swap3A_58, %swap3A_59] {strides = array<i32>} : memref<128x128xf32, #tpu.memory_space<vmem>>, vector<1x16xf32>,
      %swap3A_61 = vector.shape_cast %swap3A_60 : vector<1x16xf32> to vector<16xf32>
      %swap3A_62 = vector.shape_cast %broadcast_in_dim3A_1 : vector<16xf32> to vector<1x16xf32>
      tpu.vector_store %arg8[%swap3A_58, %swap3A_59], %swap3A_62 {strides = array<i32>} : memref<128x128xf32, #tpu.memory_space<vmem>>, vector<1x16xf32>,
      %swap3A_63 = arith.index_cast %scan3A_38 : i32 to index
      %swap3A_64 = arith.constant 80 : index
      %swap3A_65 = tpu.vector_load %arg8[%swap3A_63, %swap3A_64] {strides = array<i32>} : memref<128x128xf32, #tpu.memory_space<vmem>>, vector<1x16xf32>,
      %swap3A_66 = vector.shape_cast %swap3A_65 : vector<1x16xf32> to vector<16xf32>
      %swap3A_67 = vector.shape_cast %broadcast_in_dim3A_1 : vector<16xf32> to vector<1x16xf32>
      tpu.vector_store %arg8[%swap3A_63, %swap3A_64], %swap3A_67 {strides = array<i32>} : memref<128x128xf32, #tpu.memory_space<vmem>>, vector<1x16xf32>,
      %swap3A_68 = arith.index_cast %scan3A_38 : i32 to index
      %swap3A_69 = arith.constant 96 : index
      %swap3A_70 = tpu.vector_load %arg8[%swap3A_68, %swap3A_69] {strides = array<i32>} : memref<128x128xf32, #tpu.memory_space<vmem>>, vector<1x16xf32>,
      %swap3A_71 = vector.shape_cast %swap3A_70 : vector<1x16xf32> to vector<16xf32>
      %swap3A_72 = vector.shape_cast %broadcast_in_dim3A_1 : vector<16xf32> to vector<1x16xf32>
      tpu.vector_store %arg8[%swap3A_68, %swap3A_69], %swap3A_72 {strides = array<i32>} : memref<128x128xf32, #tpu.memory_space<vmem>>, vector<1x16xf32>,
      %swap3A_73 = arith.index_cast %scan3A_38 : i32 to index
      %swap3A_74 = arith.constant 112 : index
      %swap3A_75 = tpu.vector_load %arg8[%swap3A_73, %swap3A_74] {strides = array<i32>} : memref<128x128xf32, #tpu.memory_space<vmem>>, vector<1x16xf32>,
      %swap3A_76 = vector.shape_cast %swap3A_75 : vector<1x16xf32> to vector<16xf32>
      %swap3A_77 = vector.shape_cast %broadcast_in_dim3A_1 : vector<16xf32> to vector<1x16xf32>
      tpu.vector_store %arg8[%swap3A_73, %swap3A_74], %swap3A_77 {strides = array<i32>} : memref<128x128xf32, #tpu.memory_space<vmem>>, vector<1x16xf32>,
    }
    %scan3A_6 = arith.constant 128 : i32
    %mul3A_7 = arith.constant 640 : i32
    %mul3A_8 = arith.muli %arg1, %mul3A_7 : i32
    %add3A_9 = arith.constant 0 : i32
    %add3A_10 = arith.addi %mul3A_8, %add3A_9 : i32
    "tpu.region"() ({
      %run_scoped3A = tpu.sem_alloc : memref<!tpu.dma_semaphore, #tpu.memory_space<semaphore_mem>>
      %dma_start3A = arith.constant 0 : i32
      %dma_start3A_38 = tpu.memref_slice %arg9[%add3A_10, %dma_start3A] : memref<10240x128xf32, #tpu.memory_space<vmem_shared>> -> memref<128x128xf32, #tpu.memory_space<vmem_shared>>
      %dma_start3A_39 = arith.constant 0 : i32
      %dma_start3A_40 = tpu.memref_slice %arg9[%add3A_10, %dma_start3A_39] : memref<10240x128xf32, #tpu.memory_space<vmem_shared>> -> memref<128x128xf32, #tpu.memory_space<vmem_shared>>
      tpu.enqueue_dma source(%arg8 : memref<128x128xf32, #tpu.memory_space<vmem>>) target(%dma_start3A_40 : memref<128x128xf32, #tpu.memory_space<vmem_shared>>) target_semaphore(%run_scoped3A : memref<!tpu.dma_semaphore, #tpu.memory_space<semaphore_mem>>)
      %dma_wait3A = arith.constant 0 : i32
      %dma_wait3A_41 = tpu.memref_slice %arg9[%add3A_10, %dma_wait3A] : memref<10240x128xf32, #tpu.memory_space<vmem_shared>> -> memref<128x128xf32, #tpu.memory_space<vmem_shared>>
      %dma_wait3A_42 = arith.constant 0 : i32
      %dma_wait3A_43 = tpu.memref_slice %arg9[%add3A_10, %dma_wait3A_42] : memref<10240x128xf32, #tpu.memory_space<vmem_shared>> -> memref<128x128xf32, #tpu.memory_space<vmem_shared>>
      tpu.wait_dma2 semaphore(%run_scoped3A : memref<!tpu.dma_semaphore, #tpu.memory_space<semaphore_mem>>) src(%arg8 : memref<128x128xf32, #tpu.memory_space<vmem>>) dst(%dma_wait3A_43 : memref<128x128xf32, #tpu.memory_space<vmem_shared>>)
      tpu.yield
    }) : () -> ()
    %mul3A_11 = arith.constant 640 : i32
    %mul3A_12 = arith.muli %arg1, %mul3A_11 : i32
    %add3A_13 = arith.constant 128 : i32
    %add3A_14 = arith.addi %mul3A_12, %add3A_13 : i32
    "tpu.region"() ({
      %run_scoped3A = tpu.sem_alloc : memref<!tpu.dma_semaphore, #tpu.memory_space<semaphore_mem>>
      %dma_start3A = arith.constant 0 : i32
      %dma_start3A_38 = tpu.memref_slice %arg9[%add3A_14, %dma_start3A] : memref<10240x128xf32, #tpu.memory_space<vmem_shared>> -> memref<128x128xf32, #tpu.memory_space<vmem_shared>>
      %dma_start3A_39 = arith.constant 0 : i32
      %dma_start3A_40 = tpu.memref_slice %arg9[%add3A_14, %dma_start3A_39] : memref<10240x128xf32, #tpu.memory_space<vmem_shared>> -> memref<128x128xf32, #tpu.memory_space<vmem_shared>>
      tpu.enqueue_dma source(%arg8 : memref<128x128xf32, #tpu.memory_space<vmem>>) target(%dma_start3A_40 : memref<128x128xf32, #tpu.memory_space<vmem_shared>>) target_semaphore(%run_scoped3A : memref<!tpu.dma_semaphore, #tpu.memory_space<semaphore_mem>>)
      %dma_wait3A = arith.constant 0 : i32
      %dma_wait3A_41 = tpu.memref_slice %arg9[%add3A_14, %dma_wait3A] : memref<10240x128xf32, #tpu.memory_space<vmem_shared>> -> memref<128x128xf32, #tpu.memory_space<vmem_shared>>
      %dma_wait3A_42 = arith.constant 0 : i32
      %dma_wait3A_43 = tpu.memref_slice %arg9[%add3A_14, %dma_wait3A_42] : memref<10240x128xf32, #tpu.memory_space<vmem_shared>> -> memref<128x128xf32, #tpu.memory_space<vmem_shared>>
      tpu.wait_dma2 semaphore(%run_scoped3A : memref<!tpu.dma_semaphore, #tpu.memory_space<semaphore_mem>>) src(%arg8 : memref<128x128xf32, #tpu.memory_space<vmem>>) dst(%dma_wait3A_43 : memref<128x128xf32, #tpu.memory_space<vmem_shared>>)
      tpu.yield
    }) : () -> ()
    %mul3A_15 = arith.constant 640 : i32
    %mul3A_16 = arith.muli %arg1, %mul3A_15 : i32
    %add3A_17 = arith.constant 256 : i32
    %add3A_18 = arith.addi %mul3A_16, %add3A_17 : i32
    "tpu.region"() ({
      %run_scoped3A = tpu.sem_alloc : memref<!tpu.dma_semaphore, #tpu.memory_space<semaphore_mem>>
      %dma_start3A = arith.constant 0 : i32
      %dma_start3A_38 = tpu.memref_slice %arg9[%add3A_18, %dma_start3A] : memref<10240x128xf32, #tpu.memory_space<vmem_shared>> -> memref<128x128xf32, #tpu.memory_space<vmem_shared>>
      %dma_start3A_39 = arith.constant 0 : i32
      %dma_start3A_40 = tpu.memref_slice %arg9[%add3A_18, %dma_start3A_39] : memref<10240x128xf32, #tpu.memory_space<vmem_shared>> -> memref<128x128xf32, #tpu.memory_space<vmem_shared>>
      tpu.enqueue_dma source(%arg8 : memref<128x128xf32, #tpu.memory_space<vmem>>) target(%dma_start3A_40 : memref<128x128xf32, #tpu.memory_space<vmem_shared>>) target_semaphore(%run_scoped3A : memref<!tpu.dma_semaphore, #tpu.memory_space<semaphore_mem>>)
      %dma_wait3A = arith.constant 0 : i32
      %dma_wait3A_41 = tpu.memref_slice %arg9[%add3A_18, %dma_wait3A] : memref<10240x128xf32, #tpu.memory_space<vmem_shared>> -> memref<128x128xf32, #tpu.memory_space<vmem_shared>>
      %dma_wait3A_42 = arith.constant 0 : i32
      %dma_wait3A_43 = tpu.memref_slice %arg9[%add3A_18, %dma_wait3A_42] : memref<10240x128xf32, #tpu.memory_space<vmem_shared>> -> memref<128x128xf32, #tpu.memory_space<vmem_shared>>
      tpu.wait_dma2 semaphore(%run_scoped3A : memref<!tpu.dma_semaphore, #tpu.memory_space<semaphore_mem>>) src(%arg8 : memref<128x128xf32, #tpu.memory_space<vmem>>) dst(%dma_wait3A_43 : memref<128x128xf32, #tpu.memory_space<vmem_shared>>)
      tpu.yield
    }) : () -> ()
    %mul3A_19 = arith.constant 640 : i32
    %mul3A_20 = arith.muli %arg1, %mul3A_19 : i32
    %add3A_21 = arith.constant 384 : i32
    %add3A_22 = arith.addi %mul3A_20, %add3A_21 : i32
    "tpu.region"() ({
      %run_scoped3A = tpu.sem_alloc : memref<!tpu.dma_semaphore, #tpu.memory_space<semaphore_mem>>
      %dma_start3A = arith.constant 0 : i32
      %dma_start3A_38 = tpu.memref_slice %arg9[%add3A_22, %dma_start3A] : memref<10240x128xf32, #tpu.memory_space<vmem_shared>> -> memref<128x128xf32, #tpu.memory_space<vmem_shared>>
      %dma_start3A_39 = arith.constant 0 : i32
      %dma_start3A_40 = tpu.memref_slice %arg9[%add3A_22, %dma_start3A_39] : memref<10240x128xf32, #tpu.memory_space<vmem_shared>> -> memref<128x128xf32, #tpu.memory_space<vmem_shared>>
      tpu.enqueue_dma source(%arg8 : memref<128x128xf32, #tpu.memory_space<vmem>>) target(%dma_start3A_40 : memref<128x128xf32, #tpu.memory_space<vmem_shared>>) target_semaphore(%run_scoped3A : memref<!tpu.dma_semaphore, #tpu.memory_space<semaphore_mem>>)
      %dma_wait3A = arith.constant 0 : i32
      %dma_wait3A_41 = tpu.memref_slice %arg9[%add3A_22, %dma_wait3A] : memref<10240x128xf32, #tpu.memory_space<vmem_shared>> -> memref<128x128xf32, #tpu.memory_space<vmem_shared>>
      %dma_wait3A_42 = arith.constant 0 : i32
      %dma_wait3A_43 = tpu.memref_slice %arg9[%add3A_22, %dma_wait3A_42] : memref<10240x128xf32, #tpu.memory_space<vmem_shared>> -> memref<128x128xf32, #tpu.memory_space<vmem_shared>>
      tpu.wait_dma2 semaphore(%run_scoped3A : memref<!tpu.dma_semaphore, #tpu.memory_space<semaphore_mem>>) src(%arg8 : memref<128x128xf32, #tpu.memory_space<vmem>>) dst(%dma_wait3A_43 : memref<128x128xf32, #tpu.memory_space<vmem_shared>>)
      tpu.yield
    }) : () -> ()
    %mul3A_23 = arith.constant 640 : i32
    %mul3A_24 = arith.muli %arg1, %mul3A_23 : i32
    %add3A_25 = arith.constant 512 : i32
    %add3A_26 = arith.addi %mul3A_24, %add3A_25 : i32
    "tpu.region"() ({
      %run_scoped3A = tpu.sem_alloc : memref<!tpu.dma_semaphore, #tpu.memory_space<semaphore_mem>>
      %dma_start3A = arith.constant 0 : i32
      %dma_start3A_38 = tpu.memref_slice %arg9[%add3A_26, %dma_start3A] : memref<10240x128xf32, #tpu.memory_space<vmem_shared>> -> memref<128x128xf32, #tpu.memory_space<vmem_shared>>
      %dma_start3A_39 = arith.constant 0 : i32
      %dma_start3A_40 = tpu.memref_slice %arg9[%add3A_26, %dma_start3A_39] : memref<10240x128xf32, #tpu.memory_space<vmem_shared>> -> memref<128x128xf32, #tpu.memory_space<vmem_shared>>
      tpu.enqueue_dma source(%arg8 : memref<128x128xf32, #tpu.memory_space<vmem>>) target(%dma_start3A_40 : memref<128x128xf32, #tpu.memory_space<vmem_shared>>) target_semaphore(%run_scoped3A : memref<!tpu.dma_semaphore, #tpu.memory_space<semaphore_mem>>)
      %dma_wait3A = arith.constant 0 : i32
      %dma_wait3A_41 = tpu.memref_slice %arg9[%add3A_26, %dma_wait3A] : memref<10240x128xf32, #tpu.memory_space<vmem_shared>> -> memref<128x128xf32, #tpu.memory_space<vmem_shared>>
      %dma_wait3A_42 = arith.constant 0 : i32
      %dma_wait3A_43 = tpu.memref_slice %arg9[%add3A_26, %dma_wait3A_42] : memref<10240x128xf32, #tpu.memory_space<vmem_shared>> -> memref<128x128xf32, #tpu.memory_space<vmem_shared>>
      tpu.wait_dma2 semaphore(%run_scoped3A : memref<!tpu.dma_semaphore, #tpu.memory_space<semaphore_mem>>) src(%arg8 : memref<128x128xf32, #tpu.memory_space<vmem>>) dst(%dma_wait3A_43 : memref<128x128xf32, #tpu.memory_space<vmem_shared>>)
      tpu.yield
    }) : () -> ()
    %barrier3A = arith.constant 0 : index
    tpu.barrier barrier_id(%barrier3A)
    "tpu.region"() ({
      %run_scoped3A = tpu.sem_alloc : memref<!tpu.dma_semaphore, #tpu.memory_space<semaphore_mem>>
      %dma_start3A = arith.constant 0 : i32
      %dma_start3A_38 = arith.constant 0 : i32
      %dma_start3A_39 = tpu.memref_slice %arg3[%add3A, %dma_start3A, %dma_start3A_38] : memref<32x79x128xi32, #tpu.memory_space<hbm>> -> memref<1x79x128xi32, #tpu.memory_space<hbm>>
      %dma_start3A_40 = tpu.memref_squeeze %dma_start3A_39 : memref<1x79x128xi32, #tpu.memory_space<hbm>> -> memref<79x128xi32, #tpu.memory_space<hbm>>
      %dma_start3A_41 = arith.constant 0 : i32
      %dma_start3A_42 = arith.constant 0 : i32
      %dma_start3A_43 = tpu.memref_slice %arg3[%add3A, %dma_start3A_41, %dma_start3A_42] : memref<32x79x128xi32, #tpu.memory_space<hbm>> -> memref<1x79x128xi32, #tpu.memory_space<hbm>>
      %dma_start3A_44 = tpu.memref_squeeze %dma_start3A_43 : memref<1x79x128xi32, #tpu.memory_space<hbm>> -> memref<79x128xi32, #tpu.memory_space<hbm>>
      tpu.enqueue_dma source(%dma_start3A_44 : memref<79x128xi32, #tpu.memory_space<hbm>>) target(%arg6 : memref<79x128xi32, #tpu.memory_space<vmem>>) target_semaphore(%run_scoped3A : memref<!tpu.dma_semaphore, #tpu.memory_space<semaphore_mem>>)
      %dma_wait3A = arith.constant 0 : i32
      %dma_wait3A_45 = arith.constant 0 : i32
      %dma_wait3A_46 = tpu.memref_slice %arg3[%add3A, %dma_wait3A, %dma_wait3A_45] : memref<32x79x128xi32, #tpu.memory_space<hbm>> -> memref<1x79x128xi32, #tpu.memory_space<hbm>>
      %dma_wait3A_47 = tpu.memref_squeeze %dma_wait3A_46 : memref<1x79x128xi32, #tpu.memory_space<hbm>> -> memref<79x128xi32, #tpu.memory_space<hbm>>
      %dma_wait3A_48 = arith.constant 0 : i32
      %dma_wait3A_49 = arith.constant 0 : i32
      %dma_wait3A_50 = tpu.memref_slice %arg3[%add3A, %dma_wait3A_48, %dma_wait3A_49] : memref<32x79x128xi32, #tpu.memory_space<hbm>> -> memref<1x79x128xi32, #tpu.memory_space<hbm>>
      %dma_wait3A_51 = tpu.memref_squeeze %dma_wait3A_50 : memref<1x79x128xi32, #tpu.memory_space<hbm>> -> memref<79x128xi32, #tpu.memory_space<hbm>>
      tpu.wait_dma2 semaphore(%run_scoped3A : memref<!tpu.dma_semaphore, #tpu.memory_space<semaphore_mem>>) src(%dma_wait3A_51 : memref<79x128xi32, #tpu.memory_space<hbm>>) dst(%arg6 : memref<79x128xi32, #tpu.memory_space<vmem>>)
      tpu.yield
    }) : () -> ()
    "tpu.region"() ({
      %run_scoped3A = tpu.sem_alloc : memref<!tpu.dma_semaphore, #tpu.memory_space<semaphore_mem>>
      %dma_start3A = arith.constant 0 : i32
      %dma_start3A_38 = arith.constant 0 : i32
      %dma_start3A_39 = tpu.memref_slice %arg4[%add3A, %dma_start3A, %dma_start3A_38] : memref<32x79x128xi32, #tpu.memory_space<hbm>> -> memref<1x79x128xi32, #tpu.memory_space<hbm>>
      %dma_start3A_40 = tpu.memref_squeeze %dma_start3A_39 : memref<1x79x128xi32, #tpu.memory_space<hbm>> -> memref<79x128xi32, #tpu.memory_space<hbm>>
      %dma_start3A_41 = arith.constant 0 : i32
      %dma_start3A_42 = arith.constant 0 : i32
      %dma_start3A_43 = tpu.memref_slice %arg4[%add3A, %dma_start3A_41, %dma_start3A_42] : memref<32x79x128xi32, #tpu.memory_space<hbm>> -> memref<1x79x128xi32, #tpu.memory_space<hbm>>
      %dma_start3A_44 = tpu.memref_squeeze %dma_start3A_43 : memref<1x79x128xi32, #tpu.memory_space<hbm>> -> memref<79x128xi32, #tpu.memory_space<hbm>>
      tpu.enqueue_dma source(%dma_start3A_44 : memref<79x128xi32, #tpu.memory_space<hbm>>) target(%arg7 : memref<79x128xi32, #tpu.memory_space<vmem>>) target_semaphore(%run_scoped3A : memref<!tpu.dma_semaphore, #tpu.memory_space<semaphore_mem>>)
      %dma_wait3A = arith.constant 0 : i32
      %dma_wait3A_45 = arith.constant 0 : i32
      %dma_wait3A_46 = tpu.memref_slice %arg4[%add3A, %dma_wait3A, %dma_wait3A_45] : memref<32x79x128xi32, #tpu.memory_space<hbm>> -> memref<1x79x128xi32, #tpu.memory_space<hbm>>
      %dma_wait3A_47 = tpu.memref_squeeze %dma_wait3A_46 : memref<1x79x128xi32, #tpu.memory_space<hbm>> -> memref<79x128xi32, #tpu.memory_space<hbm>>
      %dma_wait3A_48 = arith.constant 0 : i32
      %dma_wait3A_49 = arith.constant 0 : i32
      %dma_wait3A_50 = tpu.memref_slice %arg4[%add3A, %dma_wait3A_48, %dma_wait3A_49] : memref<32x79x128xi32, #tpu.memory_space<hbm>> -> memref<1x79x128xi32, #tpu.memory_space<hbm>>
      %dma_wait3A_51 = tpu.memref_squeeze %dma_wait3A_50 : memref<1x79x128xi32, #tpu.memory_space<hbm>> -> memref<79x128xi32, #tpu.memory_space<hbm>>
      tpu.wait_dma2 semaphore(%run_scoped3A : memref<!tpu.dma_semaphore, #tpu.memory_space<semaphore_mem>>) src(%dma_wait3A_51 : memref<79x128xi32, #tpu.memory_space<hbm>>) dst(%arg7 : memref<79x128xi32, #tpu.memory_space<vmem>>)
      tpu.yield
    }) : () -> ()
    %scan3A_27 = arith.constant 0 : i32
    %scan3A_28 = arith.constant 0 : i32
    %scan3A_29 = arith.constant 79 : i32
    %scan3A_30 = arith.addi %scan3A_28, %scan3A_29 : i32
    %scan3A_31 = arith.constant 1 : i32
    scf.for %scan3A_38 = %scan3A_28 to %scan3A_30 step %scan3A_31  : i32 {
      "tpu.region"() ({
        %run_scoped3A = tpu.sem_alloc : memref<!tpu.dma_semaphore, #tpu.memory_space<semaphore_mem>>
        %dma_start3A = arith.constant 0 : i32
        %dma_start3A_39 = tpu.memref_slice %arg6[%scan3A_38, %dma_start3A] : memref<79x128xi32, #tpu.memory_space<vmem>> -> memref<1x128xi32, #tpu.memory_space<vmem>>
        %dma_start3A_40 = tpu.memref_squeeze %dma_start3A_39 : memref<1x128xi32, #tpu.memory_space<vmem>> -> memref<128xi32, #tpu.memory_space<vmem>>
        %dma_start3A_41 = arith.constant 0 : i32
        %dma_start3A_42 = arith.constant 0 : i32
        %dma_start3A_43 = tpu.memref_slice %arg2[%dma_start3A_41, %dma_start3A_42] : memref<10000x128xf32, #tpu.memory_space<hbm>> -> memref<10000x128xf32, #tpu.memory_space<hbm>>
        tpu.enqueue_indirect_dma source(%dma_start3A_43 : memref<10000x128xf32, #tpu.memory_space<hbm>>) target(%arg8 : memref<128x128xf32, #tpu.memory_space<vmem>>) offsets(%dma_start3A_40 : memref<128xi32, #tpu.memory_space<vmem>>) semaphore(%run_scoped3A : memref<!tpu.dma_semaphore, #tpu.memory_space<semaphore_mem>>)
        %dma_wait3A = arith.constant 0 : i32
        %dma_wait3A_44 = tpu.memref_slice %arg6[%scan3A_38, %dma_wait3A] : memref<79x128xi32, #tpu.memory_space<vmem>> -> memref<1x128xi32, #tpu.memory_space<vmem>>
        %dma_wait3A_45 = tpu.memref_squeeze %dma_wait3A_44 : memref<1x128xi32, #tpu.memory_space<vmem>> -> memref<128xi32, #tpu.memory_space<vmem>>
        %dma_wait3A_46 = arith.constant 0 : i32
        %dma_wait3A_47 = arith.constant 0 : i32
        %dma_wait3A_48 = tpu.memref_slice %arg2[%dma_wait3A_46, %dma_wait3A_47] : memref<10000x128xf32, #tpu.memory_space<hbm>> -> memref<10000x128xf32, #tpu.memory_space<hbm>>
        tpu.wait_indirect_dma semaphore(%run_scoped3A : memref<!tpu.dma_semaphore, #tpu.memory_space<semaphore_mem>>) src(%dma_wait3A_48 : memref<10000x128xf32, #tpu.memory_space<hbm>>) dst(%arg8 : memref<128x128xf32, #tpu.memory_space<vmem>>)
        tpu.yield
      }) : () -> ()
      "tpu.region"() ({
        %run_scoped3A = tpu.sem_alloc : memref<!tpu.dma_semaphore, #tpu.memory_space<semaphore_mem>>
        %dma_start3A = arith.constant 0 : i32
        %dma_start3A_39 = tpu.memref_slice %arg7[%scan3A_38, %dma_start3A] : memref<79x128xi32, #tpu.memory_space<vmem>> -> memref<1x128xi32, #tpu.memory_space<vmem>>
        %dma_start3A_40 = tpu.memref_squeeze %dma_start3A_39 : memref<1x128xi32, #tpu.memory_space<vmem>> -> memref<128xi32, #tpu.memory_space<vmem>>
        %dma_start3A_41 = arith.constant 0 : i32
        %dma_start3A_42 = arith.constant 0 : i32
        %dma_start3A_43 = tpu.memref_slice %arg9[%dma_start3A_41, %dma_start3A_42] : memref<10240x128xf32, #tpu.memory_space<vmem_shared>> -> memref<10240x128xf32, #tpu.memory_space<vmem_shared>>
        tpu.enqueue_indirect_dma source(%arg8 : memref<128x128xf32, #tpu.memory_space<vmem>>) target(%dma_start3A_43 : memref<10240x128xf32, #tpu.memory_space<vmem_shared>>) offsets(%dma_start3A_40 : memref<128xi32, #tpu.memory_space<vmem>>) semaphore(%run_scoped3A : memref<!tpu.dma_semaphore, #tpu.memory_space<semaphore_mem>>) {add = true}
        %dma_wait3A = arith.constant 0 : i32
        %dma_wait3A_44 = tpu.memref_slice %arg7[%scan3A_38, %dma_wait3A] : memref<79x128xi32, #tpu.memory_space<vmem>> -> memref<1x128xi32, #tpu.memory_space<vmem>>
        %dma_wait3A_45 = tpu.memref_squeeze %dma_wait3A_44 : memref<1x128xi32, #tpu.memory_space<vmem>> -> memref<128xi32, #tpu.memory_space<vmem>>
        %dma_wait3A_46 = arith.constant 0 : i32
        %dma_wait3A_47 = arith.constant 0 : i32
        %dma_wait3A_48 = tpu.memref_slice %arg9[%dma_wait3A_46, %dma_wait3A_47] : memref<10240x128xf32, #tpu.memory_space<vmem_shared>> -> memref<10240x128xf32, #tpu.memory_space<vmem_shared>>
        tpu.wait_indirect_dma semaphore(%run_scoped3A : memref<!tpu.dma_semaphore, #tpu.memory_space<semaphore_mem>>) src(%arg8 : memref<128x128xf32, #tpu.memory_space<vmem>>) dst(%dma_wait3A_48 : memref<10240x128xf32, #tpu.memory_space<vmem_shared>>)
        tpu.yield
      }) : () -> ()
    }
    %scan3A_32 = arith.constant 79 : i32
    %barrier3A_33 = arith.constant 0 : index
    tpu.barrier barrier_id(%barrier3A_33)
    %mul3A_34 = arith.constant 640 : i32
    %mul3A_35 = arith.muli %arg1, %mul3A_34 : i32
    %mul3A_36 = arith.constant 640 : i32
    %mul3A_37 = arith.muli %arg1, %mul3A_36 : i32
    "tpu.region"() ({
      %run_scoped3A = tpu.sem_alloc : memref<!tpu.dma_semaphore, #tpu.memory_space<semaphore_mem>>
      %dma_start3A = arith.constant 0 : i32
      %dma_start3A_38 = tpu.memref_slice %arg5[%arg0, %mul3A_37, %dma_start3A] : memref<2x10240x128xf32, #tpu.memory_space<hbm>> -> memref<1x640x128xf32, #tpu.memory_space<hbm>>
      %dma_start3A_39 = tpu.memref_squeeze %dma_start3A_38 : memref<1x640x128xf32, #tpu.memory_space<hbm>> -> memref<640x128xf32, #tpu.memory_space<hbm>>
      %dma_start3A_40 = arith.constant 0 : i32
      %dma_start3A_41 = tpu.memref_slice %arg9[%mul3A_35, %dma_start3A_40] : memref<10240x128xf32, #tpu.memory_space<vmem_shared>> -> memref<640x128xf32, #tpu.memory_space<vmem_shared>>
      tpu.enqueue_dma source(%dma_start3A_41 : memref<640x128xf32, #tpu.memory_space<vmem_shared>>) target(%dma_start3A_39 : memref<640x128xf32, #tpu.memory_space<hbm>>) target_semaphore(%run_scoped3A : memref<!tpu.dma_semaphore, #tpu.memory_space<semaphore_mem>>)
      %dma_wait3A = arith.constant 0 : i32
      %dma_wait3A_42 = tpu.memref_slice %arg5[%arg0, %mul3A_37, %dma_wait3A] : memref<2x10240x128xf32, #tpu.memory_space<hbm>> -> memref<1x640x128xf32, #tpu.memory_space<hbm>>
      %dma_wait3A_43 = tpu.memref_squeeze %dma_wait3A_42 : memref<1x640x128xf32, #tpu.memory_space<hbm>> -> memref<640x128xf32, #tpu.memory_space<hbm>>
      %dma_wait3A_44 = arith.constant 0 : i32
      %dma_wait3A_45 = tpu.memref_slice %arg9[%mul3A_35, %dma_wait3A_44] : memref<10240x128xf32, #tpu.memory_space<vmem_shared>> -> memref<640x128xf32, #tpu.memory_space<vmem_shared>>
      tpu.wait_dma2 semaphore(%run_scoped3A : memref<!tpu.dma_semaphore, #tpu.memory_space<semaphore_mem>>) src(%dma_wait3A_45 : memref<640x128xf32, #tpu.memory_space<vmem_shared>>) dst(%dma_wait3A_43 : memref<640x128xf32, #tpu.memory_space<hbm>>)
      tpu.yield
    }) : () -> ()
    return
  }
}

module attributes {stable_mosaic.version = 14 : i64} {
  func.func @_tc_mlp_body(%arg0: i32, %arg1: memref<2000x128xf32, #tpu.memory_space<vmem>>, %arg2: memref<2x2000x128xf32, #tpu.memory_space<vmem>>, %arg3: memref<128x128xf32, #tpu.memory_space<vmem>>, %arg4: memref<1x128xf32, #tpu.memory_space<vmem>>, %arg5: memref<128x128xf32, #tpu.memory_space<vmem>>, %arg6: memref<1x128xf32, #tpu.memory_space<vmem>>, %arg7: memref<2000x128xf32, #tpu.memory_space<vmem>>) attributes {dimension_semantics = [#tpu.dimension_semantics<arbitrary>], iteration_bounds = array<i64: 5>, scalar_prefetch = 0 : i64, scratch_operands = 0 : i64, tpu.core_type = #tpu.core_type<tc>, window_params = [{transform_indices = @transform_0, window_bounds = array<i64: 2000, 128>}, {transform_indices = @transform_1, window_bounds = array<i64: 2, 2000, 128>}, {pipeline_mode = #tpu.pipeline_mode<synchronous>, transform_indices = @transform_2, window_bounds = array<i64: 128, 128>}, {pipeline_mode = #tpu.pipeline_mode<synchronous>, transform_indices = @transform_3, window_bounds = array<i64: 1, 128>}, {pipeline_mode = #tpu.pipeline_mode<synchronous>, transform_indices = @transform_4, window_bounds = array<i64: 128, 128>}, {pipeline_mode = #tpu.pipeline_mode<synchronous>, transform_indices = @transform_5, window_bounds = array<i64: 1, 128>}, {transform_indices = @transform_6, window_bounds = array<i64: 2000, 128>}]} {
    %get3A = arith.constant 0 : index
    %get3A_0 = arith.constant 0 : index
    %get3A_1 = vector.load %arg1[%get3A, %get3A_0] : memref<2000x128xf32, #tpu.memory_space<vmem>>, vector<2000x128xf32>
    %get3A_2 = arith.constant 0 : index
    %get3A_3 = arith.constant 0 : index
    %get3A_4 = arith.constant 0 : index
    %get3A_5 = vector.load %arg2[%get3A_2, %get3A_3, %get3A_4] : memref<2x2000x128xf32, #tpu.memory_space<vmem>>, vector<1x2000x128xf32>
    %get3A_6 = vector.shape_cast %get3A_5 : vector<1x2000x128xf32> to vector<2000x128xf32>
    %add3A = arith.addf %get3A_1, %get3A_6 : vector<2000x128xf32>
    %get3A_7 = arith.constant 1 : index
    %get3A_8 = arith.constant 0 : index
    %get3A_9 = arith.constant 0 : index
    %get3A_10 = vector.load %arg2[%get3A_7, %get3A_8, %get3A_9] : memref<2x2000x128xf32, #tpu.memory_space<vmem>>, vector<1x2000x128xf32>
    %get3A_11 = vector.shape_cast %get3A_10 : vector<1x2000x128xf32> to vector<2000x128xf32>
    %add3A_12 = arith.addf %add3A, %get3A_11 : vector<2000x128xf32>
    %get3A_13 = arith.constant 0 : index
    %get3A_14 = arith.constant 0 : index
    %get3A_15 = vector.load %arg3[%get3A_13, %get3A_14] : memref<128x128xf32, #tpu.memory_space<vmem>>, vector<128x128xf32>
    %dot_general3A = arith.constant dense<0.000000e+00> : vector<2000x128xf32>
    %dot_general3A_16 = tpu.matmul %add3A_12, %get3A_15, %dot_general3A {dimension_numbers = #tpu.dot_dimension_numbers<[1], [0], [0], [1], [0, 0, 1, 1], [], []>, transpose_lhs_hint = false} : vector<2000x128xf32>, vector<128x128xf32>, vector<2000x128xf32> -> vector<2000x128xf32>
    %get3A_17 = arith.constant 0 : index
    %get3A_18 = arith.constant 0 : index
    %get3A_19 = vector.load %arg4[%get3A_17, %get3A_18] : memref<1x128xf32, #tpu.memory_space<vmem>>, vector<1x128xf32>
    %add3A_20 = vector.broadcast %get3A_19 : vector<1x128xf32> to vector<2000x128xf32>
    %add3A_21 = arith.addf %dot_general3A_16, %add3A_20 : vector<2000x128xf32>
    %max3A = arith.constant 0.000000e+00 : f32
    %max3A_22 = vector.broadcast %max3A : f32 to vector<2000x128xf32>
    %max3A_23 = arith.maximumf %add3A_21, %max3A_22 : vector<2000x128xf32>
    %get3A_24 = arith.constant 0 : index
    %get3A_25 = arith.constant 0 : index
    %get3A_26 = vector.load %arg5[%get3A_24, %get3A_25] : memref<128x128xf32, #tpu.memory_space<vmem>>, vector<128x128xf32>
    %dot_general3A_27 = arith.constant dense<0.000000e+00> : vector<2000x128xf32>
    %dot_general3A_28 = tpu.matmul %max3A_23, %get3A_26, %dot_general3A_27 {dimension_numbers = #tpu.dot_dimension_numbers<[1], [0], [0], [1], [0, 0, 1, 1], [], []>, transpose_lhs_hint = false} : vector<2000x128xf32>, vector<128x128xf32>, vector<2000x128xf32> -> vector<2000x128xf32>
    %get3A_29 = arith.constant 0 : index
    %get3A_30 = arith.constant 0 : index
    %get3A_31 = vector.load %arg6[%get3A_29, %get3A_30] : memref<1x128xf32, #tpu.memory_space<vmem>>, vector<1x128xf32>
    %add3A_32 = vector.broadcast %get3A_31 : vector<1x128xf32> to vector<2000x128xf32>
    %add3A_33 = arith.addf %dot_general3A_28, %add3A_32 : vector<2000x128xf32>
    %max3A_34 = arith.constant 0.000000e+00 : f32
    %max3A_35 = vector.broadcast %max3A_34 : f32 to vector<2000x128xf32>
    %max3A_36 = arith.maximumf %add3A_33, %max3A_35 : vector<2000x128xf32>
    %swap3A = arith.constant 0 : index
    %swap3A_37 = arith.constant 0 : index
    %swap3A_38 = vector.load %arg7[%swap3A, %swap3A_37] : memref<2000x128xf32, #tpu.memory_space<vmem>>, vector<2000x128xf32>
    tpu.vector_store %arg7[%swap3A, %swap3A_37], %max3A_36 {strides = array<i32>} : memref<2000x128xf32, #tpu.memory_space<vmem>>, vector<2000x128xf32>,
    return
  }
  func.func @transform_0(%arg0: i32) -> (i32, i32) {
    %c0_i32 = arith.constant 0 : i32
    %c0_i32_0 = arith.constant 0 : i32
    return %arg0, %c0_i32 : i32, i32
  }
  func.func @transform_1(%arg0: i32) -> (i32, i32, i32) {
    %c0_i32 = arith.constant 0 : i32
    %c0_i32_0 = arith.constant 0 : i32
    %c0_i32_1 = arith.constant 0 : i32
    return %c0_i32, %arg0, %c0_i32_0 : i32, i32, i32
  }
  func.func @transform_2(%arg0: i32) -> (i32, i32) {
    %c0_i32 = arith.constant 0 : i32
    %c0_i32_0 = arith.constant 0 : i32
    %c0_i32_1 = arith.constant 0 : i32
    return %c0_i32, %c0_i32_0 : i32, i32
  }
  func.func @transform_3(%arg0: i32) -> (i32, i32) {
    %c0_i32 = arith.constant 0 : i32
    %c0_i32_0 = arith.constant 0 : i32
    %c0_i32_1 = arith.constant 0 : i32
    return %c0_i32, %c0_i32_0 : i32, i32
  }
  func.func @transform_4(%arg0: i32) -> (i32, i32) {
    %c0_i32 = arith.constant 0 : i32
    %c0_i32_0 = arith.constant 0 : i32
    %c0_i32_1 = arith.constant 0 : i32
    return %c0_i32, %c0_i32_0 : i32, i32
  }
  func.func @transform_5(%arg0: i32) -> (i32, i32) {
    %c0_i32 = arith.constant 0 : i32
    %c0_i32_0 = arith.constant 0 : i32
    %c0_i32_1 = arith.constant 0 : i32
    return %c0_i32, %c0_i32_0 : i32, i32
  }
  func.func @transform_6(%arg0: i32) -> (i32, i32) {
    %c0_i32 = arith.constant 0 : i32
    %c0_i32_0 = arith.constant 0 : i32
    return %arg0, %c0_i32 : i32, i32
  }
}

module attributes {stable_mosaic.version = 14 : i64} {
  func.func @_tc_mlp_body(%arg0: i32, %arg1: memref<2000x128xf32, #tpu.memory_space<vmem>>, %arg2: memref<2x2000x128xf32, #tpu.memory_space<vmem>>, %arg3: memref<128x128xf32, #tpu.memory_space<vmem>>, %arg4: memref<1x128xf32, #tpu.memory_space<vmem>>, %arg5: memref<128x128xf32, #tpu.memory_space<vmem>>, %arg6: memref<1x128xf32, #tpu.memory_space<vmem>>, %arg7: memref<2000x128xf32, #tpu.memory_space<vmem>>) attributes {dimension_semantics = [#tpu.dimension_semantics<arbitrary>], iteration_bounds = array<i64: 5>, scalar_prefetch = 0 : i64, scratch_operands = 0 : i64, tpu.core_type = #tpu.core_type<tc>, window_params = [{transform_indices = @transform_0, window_bounds = array<i64: 2000, 128>}, {transform_indices = @transform_1, window_bounds = array<i64: 2, 2000, 128>}, {pipeline_mode = #tpu.pipeline_mode<synchronous>, transform_indices = @transform_2, window_bounds = array<i64: 128, 128>}, {pipeline_mode = #tpu.pipeline_mode<synchronous>, transform_indices = @transform_3, window_bounds = array<i64: 1, 128>}, {pipeline_mode = #tpu.pipeline_mode<synchronous>, transform_indices = @transform_4, window_bounds = array<i64: 128, 128>}, {pipeline_mode = #tpu.pipeline_mode<synchronous>, transform_indices = @transform_5, window_bounds = array<i64: 1, 128>}, {transform_indices = @transform_6, window_bounds = array<i64: 2000, 128>}]} {
    %get3A = arith.constant 0 : index
    %get3A_0 = arith.constant 0 : index
    %get3A_1 = vector.load %arg1[%get3A, %get3A_0] : memref<2000x128xf32, #tpu.memory_space<vmem>>, vector<2000x128xf32>
    %get3A_2 = arith.constant 0 : index
    %get3A_3 = arith.constant 0 : index
    %get3A_4 = arith.constant 0 : index
    %get3A_5 = vector.load %arg2[%get3A_2, %get3A_3, %get3A_4] : memref<2x2000x128xf32, #tpu.memory_space<vmem>>, vector<1x2000x128xf32>
    %get3A_6 = vector.shape_cast %get3A_5 : vector<1x2000x128xf32> to vector<2000x128xf32>
    %add3A = arith.addf %get3A_1, %get3A_6 : vector<2000x128xf32>
    %get3A_7 = arith.constant 1 : index
    %get3A_8 = arith.constant 0 : index
    %get3A_9 = arith.constant 0 : index
    %get3A_10 = vector.load %arg2[%get3A_7, %get3A_8, %get3A_9] : memref<2x2000x128xf32, #tpu.memory_space<vmem>>, vector<1x2000x128xf32>
    %get3A_11 = vector.shape_cast %get3A_10 : vector<1x2000x128xf32> to vector<2000x128xf32>
    %add3A_12 = arith.addf %add3A, %get3A_11 : vector<2000x128xf32>
    %get3A_13 = arith.constant 0 : index
    %get3A_14 = arith.constant 0 : index
    %get3A_15 = vector.load %arg3[%get3A_13, %get3A_14] : memref<128x128xf32, #tpu.memory_space<vmem>>, vector<128x128xf32>
    %dot_general3A = arith.constant dense<0.000000e+00> : vector<2000x128xf32>
    %dot_general3A_16 = tpu.matmul %add3A_12, %get3A_15, %dot_general3A {dimension_numbers = #tpu.dot_dimension_numbers<[1], [0], [0], [1], [0, 0, 1, 1], [], []>, transpose_lhs_hint = false} : vector<2000x128xf32>, vector<128x128xf32>, vector<2000x128xf32> -> vector<2000x128xf32>
    %get3A_17 = arith.constant 0 : index
    %get3A_18 = arith.constant 0 : index
    %get3A_19 = vector.load %arg4[%get3A_17, %get3A_18] : memref<1x128xf32, #tpu.memory_space<vmem>>, vector<1x128xf32>
    %add3A_20 = vector.broadcast %get3A_19 : vector<1x128xf32> to vector<2000x128xf32>
    %add3A_21 = arith.addf %dot_general3A_16, %add3A_20 : vector<2000x128xf32>
    %max3A = arith.constant 0.000000e+00 : f32
    %max3A_22 = vector.broadcast %max3A : f32 to vector<2000x128xf32>
    %max3A_23 = arith.maximumf %add3A_21, %max3A_22 : vector<2000x128xf32>
    %get3A_24 = arith.constant 0 : index
    %get3A_25 = arith.constant 0 : index
    %get3A_26 = vector.load %arg5[%get3A_24, %get3A_25] : memref<128x128xf32, #tpu.memory_space<vmem>>, vector<128x128xf32>
    %dot_general3A_27 = arith.constant dense<0.000000e+00> : vector<2000x128xf32>
    %dot_general3A_28 = tpu.matmul %max3A_23, %get3A_26, %dot_general3A_27 {dimension_numbers = #tpu.dot_dimension_numbers<[1], [0], [0], [1], [0, 0, 1, 1], [], []>, transpose_lhs_hint = false} : vector<2000x128xf32>, vector<128x128xf32>, vector<2000x128xf32> -> vector<2000x128xf32>
    %get3A_29 = arith.constant 0 : index
    %get3A_30 = arith.constant 0 : index
    %get3A_31 = vector.load %arg6[%get3A_29, %get3A_30] : memref<1x128xf32, #tpu.memory_space<vmem>>, vector<1x128xf32>
    %add3A_32 = vector.broadcast %get3A_31 : vector<1x128xf32> to vector<2000x128xf32>
    %add3A_33 = arith.addf %dot_general3A_28, %add3A_32 : vector<2000x128xf32>
    %max3A_34 = arith.constant 0.000000e+00 : f32
    %max3A_35 = vector.broadcast %max3A_34 : f32 to vector<2000x128xf32>
    %max3A_36 = arith.maximumf %add3A_33, %max3A_35 : vector<2000x128xf32>
    %swap3A = arith.constant 0 : index
    %swap3A_37 = arith.constant 0 : index
    %swap3A_38 = vector.load %arg7[%swap3A, %swap3A_37] : memref<2000x128xf32, #tpu.memory_space<vmem>>, vector<2000x128xf32>
    tpu.vector_store %arg7[%swap3A, %swap3A_37], %max3A_36 {strides = array<i32>} : memref<2000x128xf32, #tpu.memory_space<vmem>>, vector<2000x128xf32>,
    return
  }
  func.func @transform_0(%arg0: i32) -> (i32, i32) {
    %c0_i32 = arith.constant 0 : i32
    %c0_i32_0 = arith.constant 0 : i32
    return %arg0, %c0_i32 : i32, i32
  }
  func.func @transform_1(%arg0: i32) -> (i32, i32, i32) {
    %c0_i32 = arith.constant 0 : i32
    %c0_i32_0 = arith.constant 0 : i32
    %c0_i32_1 = arith.constant 0 : i32
    return %c0_i32, %arg0, %c0_i32_0 : i32, i32, i32
  }
  func.func @transform_2(%arg0: i32) -> (i32, i32) {
    %c0_i32 = arith.constant 0 : i32
    %c0_i32_0 = arith.constant 0 : i32
    %c0_i32_1 = arith.constant 0 : i32
    return %c0_i32, %c0_i32_0 : i32, i32
  }
  func.func @transform_3(%arg0: i32) -> (i32, i32) {
    %c0_i32 = arith.constant 0 : i32
    %c0_i32_0 = arith.constant 0 : i32
    %c0_i32_1 = arith.constant 0 : i32
    return %c0_i32, %c0_i32_0 : i32, i32
  }
  func.func @transform_4(%arg0: i32) -> (i32, i32) {
    %c0_i32 = arith.constant 0 : i32
    %c0_i32_0 = arith.constant 0 : i32
    %c0_i32_1 = arith.constant 0 : i32
    return %c0_i32, %c0_i32_0 : i32, i32
  }
  func.func @transform_5(%arg0: i32) -> (i32, i32) {
    %c0_i32 = arith.constant 0 : i32
    %c0_i32_0 = arith.constant 0 : i32
    %c0_i32_1 = arith.constant 0 : i32
    return %c0_i32, %c0_i32_0 : i32, i32
  }
  func.func @transform_6(%arg0: i32) -> (i32, i32) {
    %c0_i32 = arith.constant 0 : i32
    %c0_i32_0 = arith.constant 0 : i32
    return %arg0, %c0_i32 : i32, i32
  }
}

</mosaic_0001>

<sc_bundles>
// kernel: kernel.6.cloned.1.call-start
scs
__scs_entry_jumppad:
0x0: {  	(pc) =	sbr.rel $0x88, $3  }
0x1: {  	(tag) =	ssettag $0x0;
	lr =	simm.s32 $0x1  }
0x2: {  	[smem:$0x3F97] =	sst lr;
	_ =	strace $0xD0000000  }
0x3: {  	_ = 	snop  }
0x4: {  	_ = 	snop  }
0x5: {  	_ = 	snop  }
0x6: {  	_ = 	snop  }
0x7: {  	_ = 	snop  }
__scs_overlays_trampoline_lowered:
0x8: {  	[smem:$0x3FA6] =	sst s0  }
0x9: {  	[smem:$0x3FA7] =	sst s1  }
0xa: {  	[smem:$0x3FA8] =	sst s2  }
0xb: {  	[smem:$0x3FA9] =	sst s3  }
0xc: {  	[smem:$0x3FAA] =	sst s4  }
0xd: {  	[smem:$0x3FAB] =	sst s5  }
0xe: {  	[smem:$0x3FAC] =	sst s6  }
0xf: {  	[smem:$0x3FAD] =	sst s7  }
0x10: {  	[smem:$0x3FAE] =	sst s8  }
0x11: {  	[smem:$0x3FAF] =	sst s9;
	s0 =	simm.s32 @!p0 $0x0  }
0x12: {  	s1 =	sld [smem:$0x3F95];
	s0 =	simm.s32 @p0 $0x1  }
0x13: {  	[smem:$0x3FB0] =	sst s0;
	s0 =	simm.s32 @!p1 $0x0  }
0x14: {  	s2 =	sld [smem:$0x3F94];
	s0 =	simm.s32 @p1 $0x1  }
0x15: {  	[smem:$0x3FB1] =	sst s0;
	s0 =	simm.s32 @!p2 $0x0  }
0x16: {  	s3 =	sld [smem:$0x3FDB];
	s0 =	simm.s32 @p2 $0x1  }
0x17: {  	s4 =	simm.s32 $0x1BF5;
	[smem:$0x3FB3] =	sst s0  }
0x18: {  	s0 =	sld [smem:$0x3F96];
	_ =	swait.ge [sflag:s4], $0x0  }
0x19: {  	s7 =	sld [smem:$0x3F97]  }
0x1a: {  	s8 =	sadd.s32 $0xFFFFE003, lr  }
0x1b: {  	s9 =	sadd.s32 $0xFFFFFEF7, lr;
	s5 =	simm.s32 $0xFFFFFFFF;
	p2 =	slt.u32 s8, $0xFFFFF086  }
0x1c: {  	p1 =	slt.u32 s9, $0xF7A;
	s5 =	simm.s32 @!p2 $0x0  }
0x1d: {  	s5 =	simm.s32 @p1 $0x1;
	p0 =	seq.s32 s7, s2  }
0x1e: {  	s7 =	smul.u32 @!p0 $0xF7A, s2;
	p2 =	seq.s32 @!p0 s5, $0x0  }
0x1f: {  	s9 =	smul.u32 $0xF7A, s1;
	s8 =	simm.s32 @!p0 $0x1BF5;
	p2 =	por !p2, p0  }
0x20: {  	[sflag:s8] =	ssyncset.s32 @!p0 $0xFFFFF086;
	s6 =	sadd.s32 @!p0 s3, s7;
	s7 =	simm.s32 @!p0 $0x108  }
0x21: {  	s3 =	sadd.s32 s3, s9;
	s6 =	sadd.s32 @!p0 $0x88, s6;
	s7 =	simm.s32 @p2 $0x1082  }
0x22: {  	[simem:s7], [sflag:s8] =	dma.local @!p0 [hbm:s6], $0xF7A  }
0x23: {  	s9 =	sor.u32 $0xD0000000, s2;
	s6 =	simm.s32 $0x108;
	_ =	swait.ge @!p0 [sflag:s8], $0x0  }
0x24: {  	s3 =	sadd.s32 $0x88, s3;
	s6 =	simm.s32 @!p1 $0x1082;
	[sflag:s4] =	ssyncset.s32 $0xFFFFF086  }
0x25: {  	[simem:s6], [sflag:s4] =	dma.local [hbm:s3], $0xF7A  }
0x26: {  	[smem:$0x3F97] =	sst s1;
	(tag) =	ssettag s2;
	_ =	strace s9  }
0x27: {  	s1 =	sld [smem:$0x3FA7]  }
0x28: {  	s2 =	sld [smem:$0x3FA8]  }
0x29: {  	s4 =	sld [smem:$0x3FAA]  }
0x2a: {  	p0 =	seq.s32 s5, $0x0;
	s5 =	sld [smem:$0x3FAB]  }
0x2b: {  	s6 =	sld [smem:$0x3FAC]  }
0x2c: {  	s7 =	sld [smem:$0x3FAD]  }
0x2d: {  	s3 =	simm.s32 $0x108;
	s8 =	sld [smem:$0x3FAE]  }
0x2e: {  	s3 =	simm.s32 @!p0 $0x1082;
	s9 =	sld [smem:$0x3FAF]  }
0x2f: {  	lr =	sadd.s32 s0, s3;
	s0 =	sld [smem:$0x3FA6]  }
0x30: {  	s3 =	sld [smem:$0x3FA9]  }
0x31: {  	[smem:$0x3FB2] =	sst s10  }
0x32: {  	s10 =	sld [smem:$0x3FB0];
	_ =	sdelay $0x3  }
0x33: {  	p0 =	seq.s32 s10, $0x1;
	s10 =	sld [smem:$0x3FB2];
	_ =	sdelay $0x3  }
0x34: {  	[smem:$0x3FB2] =	sst s10  }
0x35: {  	s10 =	sld [smem:$0x3FB1];
	_ =	sdelay $0x3  }
0x36: {  	p1 =	seq.s32 s10, $0x1;
	s10 =	sld [smem:$0x3FB2];
	_ =	sdelay $0x3  }
0x37: {  	[smem:$0x3FB2] =	sst s10  }
0x38: {  	s10 =	sld [smem:$0x3FB3]  }
0x39: {  	_ = 	snop;
	(pc) =	sbr.ind lr, $3  }
0x3a: {  	_ = 	snop  }
0x3b: {  	_ = 	snop  }
0x3c: {  	p2 =	seq.s32 s10, $0x1;
	s10 =	sld [smem:$0x3FB2]  }
0x3d: {  	_ =	shalt  }
0x3e: {  	_ =	shalt  }
0x3f: {  	_ =	shalt  }
0x40: {  	_ =	shalt  }
0x41: {  	_ =	shalt  }
0x42: {  	_ =	shalt  }
0x43: {  	_ =	shalt  }
0x44: {  	_ =	shalt  }
0x45: {  	_ =	shalt  }
0x46: {  	_ =	shalt  }
0x47: {  	_ =	shalt  }
0x48: {  	_ =	shalt  }
0x49: {  	_ =	shalt  }
0x4a: {  	_ =	shalt  }
0x4b: {  	_ =	shalt  }
0x4c: {  	_ =	shalt  }
0x4d: {  	_ =	shalt  }
0x4e: {  	_ =	shalt  }
0x4f: {  	_ =	shalt  }
0x50: {  	_ =	shalt  }
0x51: {  	_ =	shalt  }
0x52: {  	_ =	shalt  }
0x53: {  	_ =	shalt  }
0x54: {  	_ =	shalt  }
0x55: {  	_ =	shalt  }
0x56: {  	_ =	shalt  }
0x57: {  	_ =	shalt  }
0x58: {  	_ =	shalt  }
0x59: {  	_ =	shalt  }
0x5a: {  	_ =	shalt  }
0x5b: {  	_ =	shalt  }
0x5c: {  	_ =	shalt  }
0x5d: {  	_ =	shalt  }
0x5e: {  	_ =	shalt  }
0x5f: {  	_ =	shalt  }
0x60: {  	_ =	shalt  }
0x61: {  	_ =	shalt  }
0x62: {  	_ =	shalt  }
0x63: {  	_ =	shalt  }
0x64: {  	_ =	shalt  }
0x65: {  	_ =	shalt  }
0x66: {  	_ =	shalt  }
0x67: {  	_ =	shalt  }
0x68: {  	_ =	shalt  }
0x69: {  	_ =	shalt  }
0x6a: {  	_ =	shalt  }
0x6b: {  	_ =	shalt  }
0x6c: {  	_ =	shalt  }
0x6d: {  	_ =	shalt  }
0x6e: {  	_ =	shalt  }
0x6f: {  	_ =	shalt  }
0x70: {  	_ =	shalt  }
0x71: {  	_ =	shalt  }
0x72: {  	_ =	shalt  }
0x73: {  	_ =	shalt  }
0x74: {  	_ =	shalt  }
0x75: {  	_ =	shalt  }
0x76: {  	_ =	shalt  }
0x77: {  	_ =	shalt  }
0x78: {  	_ =	shalt  }
0x79: {  	_ =	shalt  }
0x7a: {  	_ =	shalt  }
0x7b: {  	_ =	shalt  }
0x7c: {  	_ =	shalt  }
0x7d: {  	_ =	shalt  }
0x7e: {  	_ =	shalt  }
0x7f: {  	_ =	shalt  }
0x80: {  	_ =	shalt  }
0x81: {  	_ =	shalt  }
0x82: {  	_ =	shalt  }
0x83: {  	_ =	shalt  }
0x84: {  	_ =	shalt  }
0x85: {  	_ =	shalt  }
0x86: {  	_ =	shalt  }
0x87: {  	_ =	shalt  }
.Lfunc_end0:
.L_simem_size_0:
called_computation_lowered:
.L_overlay_start_0:
0x88: {  	s2 =	sld [smem:$0x3FD9]  }
0x89: {  	s3 =	sld [smem:$0x3FFE];
	_ =	sdelay $0x1  }
0x8a: {  	s1 =	srdreg.scid  }
0x8b: {  	s0 =	sand.u32 $0x1, s1  }
0x8c: {  	s17 =	sshll.u32 s0, $0xA;
	s2 =	sadd.s32 s3, s2  }
0x8d: {  	s2 =	sadd.s32 s2, s17  }
0x8e: {  	[smem:$0x3FBE] =	sst s2  }
0x8f: {  	_ = 	snop  }
0x90: {  	s2 =	sld [smem:$0x3FC9];
	(tm) =	ssettm $0x1  }
0x91: {  	s18 =	sld [smem:$0x3FFB];
	_ =	sdelay $0x3  }
0x92: {  	_ =	strace s18  }
0x93: {  	s3 =	sld [smem:$0x3FFC];
	_ =	sdelay $0x3  }
0x94: {  	_ =	strace s3  }
0x95: {  	s3 =	sld [smem:$0x3FFD];
	_ =	sdelay $0x3  }
0x96: {  	_ =	strace s3  }
0x97: {  	_ =	strace $0x8FFFFFFF  }
0x98: {  	s19 =	sld [smem:$0x3FDB];
	_ =	sdelay $0x1  }
0x99: {  	s4 =	simm.s32 $_scs_section_size  }
0x9a: {  	s5 =	simm.s32 $_size__tile_overlayer_lowered;
	s6 =	simm.s32 $_tile_overlayer_lowered  }
0x9b: {  	s22 =	simm.s32 $0x1BFF;
	s21 =	sshll.u32 s6, $0x1;
	s3 =	sadd.s32 s4, s19  }
0x9c: {  	s7 =	simm.s32 $0x0;
	s20 =	sshll.u32 s5, $0x1;
	s5 =	sadd.s32 s21, s3  }
0x9d: {  	[timem:s7], [sflag:s22] =	dma.local [hbm:s5], s20  }
0x9e: {  	_ =	swait.ge [sflag:s22], s20  }
0x9f: {  	s4 =	ssub.s32 $0x0, s20;
	[sflag:s22] =	ssyncset.done $0x0  }
0xa0: {  	[sflag:s22] =	ssyncadd.s32 s4;
	_ =	sdelay $0x1  }
0xa1: {  	s23 =	simm.s32 $0x1B8B  }
0xa2: {  	_ =	swait.ge [sflag:s23], $0x1  }
0xa3: {  	[sflag:s23] =	ssyncset.done $0x0  }
0xa4: {  	s25 =	simm.s32 $0x1B8E;
	s24 =	sld [smem:$0x3FFE];
	[sflag:s23] =	ssyncadd.s32 $0xFFFFFFFF  }
0xa5: {  	s26 =	simm.s32 $execute0_lowered;
	[smem:$0x3FD2] =	sst s25  }
0xa6: {  	s5 =	sshll.u32 s26, $0x1;
	_ =	strace $0x80000046;
	[dreg:$0x1] =	wrdreg $0xFFFFFFFF  }
0xa7: {  	s28 =	simm.s32 $_size_execute0_lowered;
	s3 =	sadd.s32 s3, s5;
	[dreg:$0x0] =	wrdreg $0x0  }
0xa8: {  	s5 =	sshll.u32 s28, $0x1;
	[dreg:$0x2] =	wrdreg s3  }
0xa9: {  	[dreg:$0x3] =	wrdreg s5  }
0xaa: {  	[dreg:$0x4] =	wrdreg $0xC0  }
0xab: {  	_ =	task [dreg:s7], $0x5FFFF  }
0xac: {  	[dreg:$0x1] =	wrdreg $0xFFFFFFFF  }
0xad: {  	[dreg:$0x0] =	wrdreg $0x60  }
0xae: {  	[dreg:$0x2] =	wrdreg s2  }
0xaf: {  	[dreg:$0x3] =	wrdreg s24  }
0xb0: {  	[dreg:$0x4] =	wrdreg $0x90000  }
0xb1: {  	[dreg:$0x5] =	wrdreg $0x9  }
0xb2: {  	_ =	task.clear_ibuf [dreg:s7], $0x6FFFF;
	_ =	strace $0x90000046  }
0xb3: {  	s29 =	simm.s32 $0x9;
	_ =	strace $0x80000048  }
0xb4: {  	_ =	swait.ge [sflag:s29], $0x1  }
0xb5: {  	[sflag:s29] =	ssyncadd.s32 $0xFFFFFFFF  }
0xb6: {  	_ =	strace $0x90000048  }
0xb7: {  	_ =	sfence  }
0xb8: {  	s30 =	sld [smem:$0x0];
	_ =	sdelay $0x2  }
0xb9: {  	s31 =	sshll.u32 s1, $0xD;
	s1 =	sshrl.u32 s1, $0x2  }
0xba: {  	s3 =	sand.u32 $0x4000, s31;
	s1 =	sadd.s32 s1, s30  }
0xbb: {  	s0 =	sor.u32 s3, s0;
	s1 =	sshll.u32 s1, $0x11  }
0xbc: {  	s0 =	sor.u32 s1, s0  }
0xbd: {  	s0 =	sadd.s32 $0x8F2B, s0  }
0xbe: {  	[sflag:s0] =	ssyncadd.remote.s32 $0x1  }
0xbf: {  	_ =	sfence.sel $0xFFFF  }
0xc0: {  	[dreg:$0x0] =	wrdreg $0xFFFFFFFF;
	(pc) =	sbr.abs _section_cstart, $3  }
0xc1: {  	[dreg:$0x1] =	wrdreg $0xFFFFFFFF  }
0xc2: {  	_ =	task.clear_ibuf [dreg:s7], $0x2FFFF;
	_ =	strace $0x9FFFFFFF  }
0xc3: {  	(tm) =	ssettm $0x7FFFFFFF  }
tec
execute0_lowered:
.L_overlay_start_1:
0x0: {  	(tag) =	ssettag $0x1  }
0x1: {  	s2 =	srdreg.scid;
	s1 =	rddreg [dreg:$0x0]  }
0x2: {  	s0 =	stileid.u32;
	s6 =	rddreg [dreg:$0x1]  }
0x3: {  	s3 =	rddreg [dreg:$0x2];
	s4 =	simm.s32 $0x0;
	s14 =	simm.s32 $0x5000  }
0x4: {  	s15 =	simm.s32 $0x1;
	s16 =	simm.s32 $0x2800;
	s17 =	simm.s32 $0x80  }
0x5: {  	s5 =	sand.u32 $0x1, s2;
	s28 =	sshll.u32 s0, $0x1;
	s9 =	smul.u32 $0x14000, s0  }
0x6: {  	[smem:$0x7FF] =	sst s4;
	s10 =	smul.u32 $0x50000, s0;
	s18 =	sshll.u32 s0, $0x6  }
0x7: {  	s2 =	sor.u32 s5, s28;
	s8 =	smul.u32 $0x140000, s5;
	s5 =	ssub.s32 $0x2, s5  }
0x8: {  	s18 =	sor.u32 $0x1C01, s18;
	s7 =	smul.u32 $0x500, s2;
	s2 =	rddreg [dreg:$0x3]  }
0x9: {  	_ =	strace $0x80000047;
	s30 =	sshrl.u32 s5, $0x1;
	s31 =	sshrl.u32 s10, $0x2  }
0xa: {  	s29 =	sadd.s32 s9, s8;
	s13 =	ssub.s32 s5, s30;
	s5 =	sadd.s32 s31, s3  }
0xb: {  	s11 =	sadd.s32 s7, s6;
	s7 =	sshrl.u32 s29, $0x3;
	s8 =	sadd.s32 $0xC000, s5  }
0xc: {  	s9 =	sadd.s32 $0x10000, s5;
	s13 =	smax.u32 s13, $0x1;
	s19 =	sshrl.u32 s5, $0x3  }
0xd: {  	s12 =	sadd.s32 s7, s6;
	s6 =	sadd.s32 $0x4000, s5;
	s7 =	sadd.s32 $0x8000, s5  }
0xe: {  	v0 =	vimm.f32 $0.0e+00;
	s10 =	sadd.s32 $0xC000, s11;
	s11 =	sadd.s32 $0x2000, s11;
	s12 =	sadd.s32 $0x16000, s12  }
.LBB2_1:
0xf: {  	s20 =	simm.s32 $0x0;
	s21 =	simm.s32 $0x200  }
.LBB2_2:
0x10: {  	p0 =	sne.s32 s21, $0xFE00;
	[tilespmem:s20+$0x5070] =	vst v0  }
0x11: {  	[tilespmem:s20+$0x5000] =	vst v0  }
0x12: {  	[tilespmem:s20+$0x5010] =	vst v0  }
.Ltmp0:
0x13: {  	[tilespmem:s20+$0x5020] =	vst v0;
	(pc) =	sbr.rel @p0 .LBB2_2-.Ltmp0, $4  }
0x14: {  	[tilespmem:s20+$0x5030] =	vst v0  }
0x15: {  	[tilespmem:s20+$0x5040] =	vst v0  }
0x16: {  	[tilespmem:s20+$0x5050] =	vst v0  }
0x17: {  	[tilespmem:s20+$0x5060] =	vst v0;
	s20 =	sshra.s32 s21, $0x2;
	s21 =	sadd.s32 $0x200, s21  }
0x18: {  	[tilespmem:s20+$0x5070] =	vst v0  }
0x19: {  	[tilespmem:s20+$0x5000] =	vst v0  }
0x1a: {  	[tilespmem:s20+$0x5010] =	vst v0  }
0x1b: {  	[tilespmem:s20+$0x5020] =	vst v0  }
0x1c: {  	[tilespmem:s20+$0x5030] =	vst v0  }
0x1d: {  	[tilespmem:s20+$0x5040] =	vst v0  }
0x1e: {  	[tilespmem:s20+$0x5050] =	vst v0  }
0x1f: {  	[tilespmem:s20+$0x5060] =	vst v0  }
0x20: {  	[spmem:s5] =	stream.linear.scatter [tilespmem:s14], [sflag:$0x1], $0x4000, $0x38;
	[tilespmem:$0x1D000] =	vst v63  }
0x21: {  	_ =	swait.ge [sflag:s15], $0x4000  }
0x22: {  	[sflag:s15] =	ssyncset.done $0x0  }
0x23: {  	[sflag:s15] =	ssyncadd.s32 $0xFFFFC000  }
0x24: {  	[spmem:s6] =	stream.linear.scatter [tilespmem:s14], [sflag:$0x1], $0x4000, $0x38;
	[tilespmem:$0x1D000] =	vst v63  }
0x25: {  	_ =	swait.ge [sflag:s15], $0x4000  }
0x26: {  	[sflag:s15] =	ssyncset.done $0x0  }
0x27: {  	[sflag:s15] =	ssyncadd.s32 $0xFFFFC000  }
0x28: {  	[spmem:s7] =	stream.linear.scatter [tilespmem:s14], [sflag:$0x1], $0x4000, $0x38;
	[tilespmem:$0x1D000] =	vst v63  }
0x29: {  	_ =	swait.ge [sflag:s15], $0x4000  }
0x2a: {  	[sflag:s15] =	ssyncset.done $0x0  }
0x2b: {  	[sflag:s15] =	ssyncadd.s32 $0xFFFFC000  }
0x2c: {  	[spmem:s8] =	stream.linear.scatter [tilespmem:s14], [sflag:$0x1], $0x4000, $0x38;
	[tilespmem:$0x1D000] =	vst v63  }
0x2d: {  	_ =	swait.ge [sflag:s15], $0x4000  }
0x2e: {  	[sflag:s15] =	ssyncset.done $0x0  }
0x2f: {  	[sflag:s15] =	ssyncadd.s32 $0xFFFFC000  }
0x30: {  	[spmem:s9] =	stream.linear.scatter [tilespmem:s14], [sflag:$0x1], $0x4000, $0x38;
	[tilespmem:$0x1D000] =	vst v63  }
0x31: {  	_ =	swait.ge [sflag:s15], $0x4000  }
0x32: {  	[sflag:s15] =	ssyncset.done $0x0  }
0x33: {  	[sflag:s15] =	ssyncadd.s32 $0xFFFFC000  }
0x34: {  	s29 =	simm.s32 $0x0;
	[bflag:$0x0] =	sbarrier.arrive $0xFFFF  }
0x35: {  	[tilespmem:s29], [sflag:$0x1] =	stream.linear.gather [hbm4b:s10+s29], $0x2780, $0x38;
	[tilespmem:$0x1D000] =	vst v63  }
0x36: {  	_ =	swait.ge [sflag:s15], $0x2780  }
0x37: {  	[sflag:s15] =	ssyncset.done $0x0  }
0x38: {  	[sflag:s15] =	ssyncadd.s32 $0xFFFFD880  }
0x39: {  	[tilespmem:s16], [sflag:$0x1] =	stream.linear.gather [hbm4b:s11+s29], $0x2780, $0x38;
	[tilespmem:$0x1D000] =	vst v63  }
0x3a: {  	_ =	swait.ge [sflag:s15], $0x2780  }
0x3b: {  	[sflag:s15] =	ssyncset.done $0x0  }
0x3c: {  	s30 =	simm.s32 $0x0;
	[sflag:s15] =	ssyncadd.s32 $0xFFFFD880  }
0x3d: {  	[tilespmem:s14], [sflag:$0x1] =	stream.indirect.gather [hbm4b:s1+s17], $0x80, s30, s17, $0xb8;
	[tilespmem:$0x1D000] =	vst v63  }
0x3e: {  	_ =	swait.ge [sflag:s15], $0x4000  }
0x3f: {  	[sflag:s15] =	ssyncset.done $0x0  }
0x40: {  	s31 =	simm.s32 $0x2800;
	[sflag:s15] =	ssyncadd.s32 $0xFFFFC000  }
0x41: {  	[spmem:s3] =	stream.indirect.scatter.add.f32 [tilespmem:s14], [sflag:$0x1], $0x80, s31, s17, $0xb8;
	[tilespmem:$0x1D000] =	vst v63  }
0x42: {  	_ =	swait.ge [sflag:s15], $0x4000  }
0x43: {  	s20 =	simm.s32 $0x200;
	s21 =	simm.s32 $0x400;
	[sflag:s15] =	ssyncset.done $0x0  }
.LBB2_4:
0x44: {  	s22 =	sshra.s32 s20, $0x2  }
0x45: {  	[sflag:s15] =	ssyncadd.s32 $0xFFFFC000;
	s20 =	smov.u32 s21;
	s23 =	sadd.s32 $0x200, s21  }
0x46: {  	[tilespmem:s14], [sflag:$0x1] =	stream.indirect.gather [hbm4b:s1+s17], $0x80, s22, s17, $0xb8;
	[tilespmem:$0x1D000] =	vst v63  }
0x47: {  	p0 =	sne.s32 s21, $0x9C00;
	_ =	swait.ge [sflag:s15], $0x4000  }
.Ltmp1:
0x48: {  	[sflag:s15] =	ssyncset.done $0x0;
	(pc) =	sbr.rel @p0 .LBB2_4-.Ltmp1, $4  }
0x49: {  	s21 =	sadd.s32 $0x2800, s22;
	[sflag:s15] =	ssyncadd.s32 $0xFFFFC000  }
0x4a: {  	[spmem:s3] =	stream.indirect.scatter.add.f32 [tilespmem:s14], [sflag:$0x1], $0x80, s21, s17, $0xb8;
	[tilespmem:$0x1D000] =	vst v63  }
0x4b: {  	_ =	swait.ge [sflag:s15], $0x4000  }
0x4c: {  	s21 =	smov.u32 s23;
	[sflag:s15] =	ssyncset.done $0x0  }
0x4d: {  	s20 =	sshra.s32 s20, $0x2;
	[sflag:s15] =	ssyncadd.s32 $0xFFFFC000  }
0x4e: {  	[tilespmem:s14], [sflag:$0x1] =	stream.indirect.gather [hbm4b:s1+s17], $0x80, s20, s17, $0xb8;
	[tilespmem:$0x1D000] =	vst v63  }
0x4f: {  	_ =	swait.ge [sflag:s15], $0x4000  }
0x50: {  	[sflag:s15] =	ssyncset.done $0x0  }
0x51: {  	s20 =	sadd.s32 $0x2800, s20;
	[sflag:s15] =	ssyncadd.s32 $0xFFFFC000  }
0x52: {  	[spmem:s3] =	stream.indirect.scatter.add.f32 [tilespmem:s14], [sflag:$0x1], $0x80, s20, s17, $0xb8;
	[tilespmem:$0x1D000] =	vst v63  }
0x53: {  	_ =	swait.ge [sflag:s15], $0x4000  }
0x54: {  	s4 =	sadd.s32 $0x1, s4;
	[sflag:s15] =	ssyncset.done $0x0  }
0x55: {  	p0 =	sne.s32 s4, s13;
	[sflag:s15] =	ssyncadd.s32 $0xFFFFC000  }
.Ltmp2:
0x56: {  	[bflag:$0x0] =	sbarrier.arrive $0xFFFF;
	(pc) =	sbr.rel @p0 .LBB2_1-.Ltmp2, $4  }
0x57: {  	[hbm:s12], [sflag:s18] =	dma.local [spmem:s19], $0x2800  }
0x58: {  	_ =	swait.ge [sflag:s15], $0x2800  }
0x59: {  	[sflag:s15] =	ssyncset.done $0x0  }
0x5a: {  	[sflag:s15] =	ssyncadd.s32 $0xFFFFD800  }
0x5b: {  	_ =	sfence.sel $0x180000  }
0x5c: {  	[bflag:$0x0] =	sbarrier.arrive $0xFFFF  }
0x5d: {  	p0 =	sne.s32 s0, $0x0;
	_ =	strace $0x90000047  }
0x5e: {  	s0 =	sadd.s32 @!p0 $0x100000, s2;
	[bflag:$0x2] =	sbarrier.arrive $0xFFFF  }
0x5f: {  	[sflag:s0] =	ssyncadd.tile.s32 @!p0 $0x1;
	_ =	shalt  }
.Lfunc_end2:
_tile_overlayer_lowered:
.L_overlay_start_2:
0x60: {  	(tag) =	ssettag $0x2  }
0x61: {  	s0 =	rddreg [dreg:$0x0];
	s2 =	stileid.u32  }
0x62: {  	s1 =	rddreg [dreg:$0x1];
	p0 =	sne.s32 s2, $0x0  }
0x63: {  	s3 =	rddreg [dreg:$0x2];
	[bflag:$0x3] =	sbarrier.arrive $0xFFFF;
	s2 =	simm.s32 @!p0 $0x1C01  }
0x64: {  	[timem:s3], [sflag:s2] =	dma.local @!p0 [hbm:s0], s1  }
0x65: {  	s0 =	simm.s32 @!p0 $0x1  }
0x66: {  	_ =	swait.ge @!p0 [sflag:s0], s1  }
0x67: {  	s1 =	ssub.s32 @!p0 $0x0, s1;
	[sflag:s0] =	ssyncset.done @!p0 $0x0  }
0x68: {  	[sflag:s0] =	ssyncadd.s32 @!p0 s1  }
0x69: {  	[bflag:$0x3] =	sbarrier.arrive $0xFFFF  }
0x6a: {  	_ =	shalt  }

// kernel: kernel.9.cloned.1.call-start
scs
__scs_entry_jumppad:
0x0: {  	(pc) =	sbr.rel $0x88, $3  }
0x1: {  	(tag) =	ssettag $0x0;
	lr =	simm.s32 $0x1  }
0x2: {  	[smem:$0x3F97] =	sst lr;
	_ =	strace $0xD0000000  }
0x3: {  	_ = 	snop  }
0x4: {  	_ = 	snop  }
0x5: {  	_ = 	snop  }
0x6: {  	_ = 	snop  }
0x7: {  	_ = 	snop  }
__scs_overlays_trampoline_lowered:
0x8: {  	[smem:$0x3FA6] =	sst s0  }
0x9: {  	[smem:$0x3FA7] =	sst s1  }
0xa: {  	[smem:$0x3FA8] =	sst s2  }
0xb: {  	[smem:$0x3FA9] =	sst s3  }
0xc: {  	[smem:$0x3FAA] =	sst s4  }
0xd: {  	[smem:$0x3FAB] =	sst s5  }
0xe: {  	[smem:$0x3FAC] =	sst s6  }
0xf: {  	[smem:$0x3FAD] =	sst s7  }
0x10: {  	[smem:$0x3FAE] =	sst s8  }
0x11: {  	[smem:$0x3FAF] =	sst s9;
	s0 =	simm.s32 @!p0 $0x0  }
0x12: {  	s1 =	sld [smem:$0x3F95];
	s0 =	simm.s32 @p0 $0x1  }
0x13: {  	[smem:$0x3FB0] =	sst s0;
	s0 =	simm.s32 @!p1 $0x0  }
0x14: {  	s2 =	sld [smem:$0x3F94];
	s0 =	simm.s32 @p1 $0x1  }
0x15: {  	[smem:$0x3FB1] =	sst s0;
	s0 =	simm.s32 @!p2 $0x0  }
0x16: {  	s3 =	sld [smem:$0x3FDB];
	s0 =	simm.s32 @p2 $0x1  }
0x17: {  	s4 =	simm.s32 $0x1BF5;
	[smem:$0x3FB3] =	sst s0  }
0x18: {  	s0 =	sld [smem:$0x3F96];
	_ =	swait.ge [sflag:s4], $0x0  }
0x19: {  	s7 =	sld [smem:$0x3F97]  }
0x1a: {  	s8 =	sadd.s32 $0xFFFFE003, lr  }
0x1b: {  	s9 =	sadd.s32 $0xFFFFFEF7, lr;
	s5 =	simm.s32 $0xFFFFFFFF;
	p2 =	slt.u32 s8, $0xFFFFF086  }
0x1c: {  	p1 =	slt.u32 s9, $0xF7A;
	s5 =	simm.s32 @!p2 $0x0  }
0x1d: {  	s5 =	simm.s32 @p1 $0x1;
	p0 =	seq.s32 s7, s2  }
0x1e: {  	s7 =	smul.u32 @!p0 $0xF7A, s2;
	p2 =	seq.s32 @!p0 s5, $0x0  }
0x1f: {  	s9 =	smul.u32 $0xF7A, s1;
	s8 =	simm.s32 @!p0 $0x1BF5;
	p2 =	por !p2, p0  }
0x20: {  	[sflag:s8] =	ssyncset.s32 @!p0 $0xFFFFF086;
	s6 =	sadd.s32 @!p0 s3, s7;
	s7 =	simm.s32 @!p0 $0x108  }
0x21: {  	s3 =	sadd.s32 s3, s9;
	s6 =	sadd.s32 @!p0 $0x88, s6;
	s7 =	simm.s32 @p2 $0x1082  }
0x22: {  	[simem:s7], [sflag:s8] =	dma.local @!p0 [hbm:s6], $0xF7A  }
0x23: {  	s9 =	sor.u32 $0xD0000000, s2;
	s6 =	simm.s32 $0x108;
	_ =	swait.ge @!p0 [sflag:s8], $0x0  }
0x24: {  	s3 =	sadd.s32 $0x88, s3;
	s6 =	simm.s32 @!p1 $0x1082;
	[sflag:s4] =	ssyncset.s32 $0xFFFFF086  }
0x25: {  	[simem:s6], [sflag:s4] =	dma.local [hbm:s3], $0xF7A  }
0x26: {  	[smem:$0x3F97] =	sst s1;
	(tag) =	ssettag s2;
	_ =	strace s9  }
0x27: {  	s1 =	sld [smem:$0x3FA7]  }
0x28: {  	s2 =	sld [smem:$0x3FA8]  }
0x29: {  	s4 =	sld [smem:$0x3FAA]  }
0x2a: {  	p0 =	seq.s32 s5, $0x0;
	s5 =	sld [smem:$0x3FAB]  }
0x2b: {  	s6 =	sld [smem:$0x3FAC]  }
0x2c: {  	s7 =	sld [smem:$0x3FAD]  }
0x2d: {  	s3 =	simm.s32 $0x108;
	s8 =	sld [smem:$0x3FAE]  }
0x2e: {  	s3 =	simm.s32 @!p0 $0x1082;
	s9 =	sld [smem:$0x3FAF]  }
0x2f: {  	lr =	sadd.s32 s0, s3;
	s0 =	sld [smem:$0x3FA6]  }
0x30: {  	s3 =	sld [smem:$0x3FA9]  }
0x31: {  	[smem:$0x3FB2] =	sst s10  }
0x32: {  	s10 =	sld [smem:$0x3FB0];
	_ =	sdelay $0x3  }
0x33: {  	p0 =	seq.s32 s10, $0x1;
	s10 =	sld [smem:$0x3FB2];
	_ =	sdelay $0x3  }
0x34: {  	[smem:$0x3FB2] =	sst s10  }
0x35: {  	s10 =	sld [smem:$0x3FB1];
	_ =	sdelay $0x3  }
0x36: {  	p1 =	seq.s32 s10, $0x1;
	s10 =	sld [smem:$0x3FB2];
	_ =	sdelay $0x3  }
0x37: {  	[smem:$0x3FB2] =	sst s10  }
0x38: {  	s10 =	sld [smem:$0x3FB3]  }
0x39: {  	_ = 	snop;
	(pc) =	sbr.ind lr, $3  }
0x3a: {  	_ = 	snop  }
0x3b: {  	_ = 	snop  }
0x3c: {  	p2 =	seq.s32 s10, $0x1;
	s10 =	sld [smem:$0x3FB2]  }
0x3d: {  	_ =	shalt  }
0x3e: {  	_ =	shalt  }
0x3f: {  	_ =	shalt  }
0x40: {  	_ =	shalt  }
0x41: {  	_ =	shalt  }
0x42: {  	_ =	shalt  }
0x43: {  	_ =	shalt  }
0x44: {  	_ =	shalt  }
0x45: {  	_ =	shalt  }
0x46: {  	_ =	shalt  }
0x47: {  	_ =	shalt  }
0x48: {  	_ =	shalt  }
0x49: {  	_ =	shalt  }
0x4a: {  	_ =	shalt  }
0x4b: {  	_ =	shalt  }
0x4c: {  	_ =	shalt  }
0x4d: {  	_ =	shalt  }
0x4e: {  	_ =	shalt  }
0x4f: {  	_ =	shalt  }
0x50: {  	_ =	shalt  }
0x51: {  	_ =	shalt  }
0x52: {  	_ =	shalt  }
0x53: {  	_ =	shalt  }
0x54: {  	_ =	shalt  }
0x55: {  	_ =	shalt  }
0x56: {  	_ =	shalt  }
0x57: {  	_ =	shalt  }
0x58: {  	_ =	shalt  }
0x59: {  	_ =	shalt  }
0x5a: {  	_ =	shalt  }
0x5b: {  	_ =	shalt  }
0x5c: {  	_ =	shalt  }
0x5d: {  	_ =	shalt  }
0x5e: {  	_ =	shalt  }
0x5f: {  	_ =	shalt  }
0x60: {  	_ =	shalt  }
0x61: {  	_ =	shalt  }
0x62: {  	_ =	shalt  }
0x63: {  	_ =	shalt  }
0x64: {  	_ =	shalt  }
0x65: {  	_ =	shalt  }
0x66: {  	_ =	shalt  }
0x67: {  	_ =	shalt  }
0x68: {  	_ =	shalt  }
0x69: {  	_ =	shalt  }
0x6a: {  	_ =	shalt  }
0x6b: {  	_ =	shalt  }
0x6c: {  	_ =	shalt  }
0x6d: {  	_ =	shalt  }
0x6e: {  	_ =	shalt  }
0x6f: {  	_ =	shalt  }
0x70: {  	_ =	shalt  }
0x71: {  	_ =	shalt  }
0x72: {  	_ =	shalt  }
0x73: {  	_ =	shalt  }
0x74: {  	_ =	shalt  }
0x75: {  	_ =	shalt  }
0x76: {  	_ =	shalt  }
0x77: {  	_ =	shalt  }
0x78: {  	_ =	shalt  }
0x79: {  	_ =	shalt  }
0x7a: {  	_ =	shalt  }
0x7b: {  	_ =	shalt  }
0x7c: {  	_ =	shalt  }
0x7d: {  	_ =	shalt  }
0x7e: {  	_ =	shalt  }
0x7f: {  	_ =	shalt  }
0x80: {  	_ =	shalt  }
0x81: {  	_ =	shalt  }
0x82: {  	_ =	shalt  }
0x83: {  	_ =	shalt  }
0x84: {  	_ =	shalt  }
0x85: {  	_ =	shalt  }
0x86: {  	_ =	shalt  }
0x87: {  	_ =	shalt  }
.Lfunc_end0:
.L_simem_size_0:
called_computation.1_lowered:
.L_overlay_start_0:
0x88: {  	s2 =	sld [smem:$0x3FD9]  }
0x89: {  	s3 =	sld [smem:$0x3FFE];
	_ =	sdelay $0x1  }
0x8a: {  	s1 =	srdreg.scid  }
0x8b: {  	s0 =	sand.u32 $0x1, s1  }
0x8c: {  	s17 =	sshll.u32 s0, $0xA;
	s2 =	sadd.s32 s3, s2  }
0x8d: {  	s2 =	sadd.s32 s2, s17  }
0x8e: {  	[smem:$0x3FBE] =	sst s2  }
0x8f: {  	_ = 	snop  }
0x90: {  	s2 =	sld [smem:$0x3FD0];
	(tm) =	ssettm $0x1  }
0x91: {  	s18 =	sld [smem:$0x3FFB];
	_ =	sdelay $0x3  }
0x92: {  	_ =	strace s18  }
0x93: {  	s3 =	sld [smem:$0x3FFC];
	_ =	sdelay $0x3  }
0x94: {  	_ =	strace s3  }
0x95: {  	s3 =	sld [smem:$0x3FFD];
	_ =	sdelay $0x3  }
0x96: {  	_ =	strace s3  }
0x97: {  	_ =	strace $0x8FFFFFFF  }
0x98: {  	s19 =	sld [smem:$0x3FDB];
	_ =	sdelay $0x1  }
0x99: {  	s4 =	simm.s32 $_scs_section_size  }
0x9a: {  	s5 =	simm.s32 $_size__tile_overlayer_lowered;
	s6 =	simm.s32 $_tile_overlayer_lowered  }
0x9b: {  	s22 =	simm.s32 $0x1BFF;
	s21 =	sshll.u32 s6, $0x1;
	s3 =	sadd.s32 s4, s19  }
0x9c: {  	s7 =	simm.s32 $0x0;
	s20 =	sshll.u32 s5, $0x1;
	s5 =	sadd.s32 s21, s3  }
0x9d: {  	[timem:s7], [sflag:s22] =	dma.local [hbm:s5], s20  }
0x9e: {  	_ =	swait.ge [sflag:s22], s20  }
0x9f: {  	s4 =	ssub.s32 $0x0, s20;
	[sflag:s22] =	ssyncset.done $0x0  }
0xa0: {  	[sflag:s22] =	ssyncadd.s32 s4;
	_ =	sdelay $0x1  }
0xa1: {  	s23 =	simm.s32 $0x1B8B  }
0xa2: {  	_ =	swait.ge [sflag:s23], $0x1  }
0xa3: {  	[sflag:s23] =	ssyncset.done $0x0  }
0xa4: {  	s25 =	simm.s32 $0x1B8E;
	s24 =	sld [smem:$0x3FFE];
	[sflag:s23] =	ssyncadd.s32 $0xFFFFFFFF  }
0xa5: {  	s26 =	simm.s32 $execute0_lowered;
	[smem:$0x3FD2] =	sst s25  }
0xa6: {  	s5 =	sshll.u32 s26, $0x1;
	_ =	strace $0x80000049;
	[dreg:$0x1] =	wrdreg $0xFFFFFFFF  }
0xa7: {  	s28 =	simm.s32 $_size_execute0_lowered;
	s3 =	sadd.s32 s3, s5;
	[dreg:$0x0] =	wrdreg $0x0  }
0xa8: {  	s5 =	sshll.u32 s28, $0x1;
	[dreg:$0x2] =	wrdreg s3  }
0xa9: {  	[dreg:$0x3] =	wrdreg s5  }
0xaa: {  	[dreg:$0x4] =	wrdreg $0xC0  }
0xab: {  	_ =	task [dreg:s7], $0x5FFFF  }
0xac: {  	[dreg:$0x1] =	wrdreg $0xFFFFFFFF  }
0xad: {  	[dreg:$0x0] =	wrdreg $0x60  }
0xae: {  	[dreg:$0x2] =	wrdreg s2  }
0xaf: {  	[dreg:$0x3] =	wrdreg s24  }
0xb0: {  	[dreg:$0x4] =	wrdreg $0x90000  }
0xb1: {  	[dreg:$0x5] =	wrdreg $0x9  }
0xb2: {  	_ =	task.clear_ibuf [dreg:s7], $0x6FFFF;
	_ =	strace $0x90000049  }
0xb3: {  	s29 =	simm.s32 $0x9;
	_ =	strace $0x8000004B  }
0xb4: {  	_ =	swait.ge [sflag:s29], $0x1  }
0xb5: {  	[sflag:s29] =	ssyncadd.s32 $0xFFFFFFFF  }
0xb6: {  	_ =	strace $0x9000004B  }
0xb7: {  	_ =	sfence  }
0xb8: {  	s30 =	sld [smem:$0x0];
	_ =	sdelay $0x2  }
0xb9: {  	s31 =	sshll.u32 s1, $0xD;
	s1 =	sshrl.u32 s1, $0x2  }
0xba: {  	s3 =	sand.u32 $0x4000, s31;
	s1 =	sadd.s32 s1, s30  }
0xbb: {  	s0 =	sor.u32 s3, s0;
	s1 =	sshll.u32 s1, $0x11  }
0xbc: {  	s0 =	sor.u32 s1, s0  }
0xbd: {  	s0 =	sadd.s32 $0x8F2B, s0  }
0xbe: {  	[sflag:s0] =	ssyncadd.remote.s32 $0x1  }
0xbf: {  	_ =	sfence.sel $0xFFFF  }
0xc0: {  	[dreg:$0x0] =	wrdreg $0xFFFFFFFF;
	(pc) =	sbr.abs _section_cstart, $3  }
0xc1: {  	[dreg:$0x1] =	wrdreg $0xFFFFFFFF  }
0xc2: {  	_ =	task.clear_ibuf [dreg:s7], $0x2FFFF;
	_ =	strace $0x9FFFFFFF  }
0xc3: {  	(tm) =	ssettm $0x7FFFFFFF  }
tec
execute0_lowered:
.L_overlay_start_1:
0x0: {  	(tag) =	ssettag $0x1  }
0x1: {  	s2 =	srdreg.scid;
	s1 =	rddreg [dreg:$0x0]  }
0x2: {  	s0 =	stileid.u32;
	s6 =	rddreg [dreg:$0x1]  }
0x3: {  	s3 =	rddreg [dreg:$0x2];
	s4 =	simm.s32 $0x0;
	s14 =	simm.s32 $0x5000  }
0x4: {  	s15 =	simm.s32 $0x1;
	s16 =	simm.s32 $0x2800;
	s17 =	simm.s32 $0x80  }
0x5: {  	s5 =	sand.u32 $0x1, s2;
	s28 =	sshll.u32 s0, $0x1;
	s9 =	smul.u32 $0x14000, s0  }
0x6: {  	[smem:$0x7FF] =	sst s4;
	s10 =	smul.u32 $0x50000, s0;
	s18 =	sshll.u32 s0, $0x6  }
0x7: {  	s2 =	sor.u32 s5, s28;
	s8 =	smul.u32 $0x140000, s5;
	s5 =	ssub.s32 $0x2, s5  }
0x8: {  	s18 =	sor.u32 $0x1C01, s18;
	s7 =	smul.u32 $0x500, s2;
	s2 =	rddreg [dreg:$0x3]  }
0x9: {  	_ =	strace $0x8000004A;
	s30 =	sshrl.u32 s5, $0x1;
	s31 =	sshrl.u32 s10, $0x2  }
0xa: {  	s29 =	sadd.s32 s9, s8;
	s13 =	ssub.s32 s5, s30;
	s5 =	sadd.s32 s31, s3  }
0xb: {  	s11 =	sadd.s32 s7, s6;
	s7 =	sshrl.u32 s29, $0x3;
	s8 =	sadd.s32 $0xC000, s5  }
0xc: {  	s9 =	sadd.s32 $0x10000, s5;
	s13 =	smax.u32 s13, $0x1;
	s19 =	sshrl.u32 s5, $0x3  }
0xd: {  	s12 =	sadd.s32 s7, s6;
	s6 =	sadd.s32 $0x4000, s5;
	s7 =	sadd.s32 $0x8000, s5  }
0xe: {  	v0 =	vimm.f32 $0.0e+00;
	s10 =	sadd.s32 $0xC000, s11;
	s11 =	sadd.s32 $0x2000, s11;
	s12 =	sadd.s32 $0x16000, s12  }
.LBB2_1:
0xf: {  	s20 =	simm.s32 $0x0;
	s21 =	simm.s32 $0x200  }
.LBB2_2:
0x10: {  	p0 =	sne.s32 s21, $0xFE00;
	[tilespmem:s20+$0x5070] =	vst v0  }
0x11: {  	[tilespmem:s20+$0x5000] =	vst v0  }
0x12: {  	[tilespmem:s20+$0x5010] =	vst v0  }
.Ltmp0:
0x13: {  	[tilespmem:s20+$0x5020] =	vst v0;
	(pc) =	sbr.rel @p0 .LBB2_2-.Ltmp0, $4  }
0x14: {  	[tilespmem:s20+$0x5030] =	vst v0  }
0x15: {  	[tilespmem:s20+$0x5040] =	vst v0  }
0x16: {  	[tilespmem:s20+$0x5050] =	vst v0  }
0x17: {  	[tilespmem:s20+$0x5060] =	vst v0;
	s20 =	sshra.s32 s21, $0x2;
	s21 =	sadd.s32 $0x200, s21  }
0x18: {  	[tilespmem:s20+$0x5070] =	vst v0  }
0x19: {  	[tilespmem:s20+$0x5000] =	vst v0  }
0x1a: {  	[tilespmem:s20+$0x5010] =	vst v0  }
0x1b: {  	[tilespmem:s20+$0x5020] =	vst v0  }
0x1c: {  	[tilespmem:s20+$0x5030] =	vst v0  }
0x1d: {  	[tilespmem:s20+$0x5040] =	vst v0  }
0x1e: {  	[tilespmem:s20+$0x5050] =	vst v0  }
0x1f: {  	[tilespmem:s20+$0x5060] =	vst v0  }
0x20: {  	[spmem:s5] =	stream.linear.scatter [tilespmem:s14], [sflag:$0x1], $0x4000, $0x38;
	[tilespmem:$0x1D000] =	vst v63  }
0x21: {  	_ =	swait.ge [sflag:s15], $0x4000  }
0x22: {  	[sflag:s15] =	ssyncset.done $0x0  }
0x23: {  	[sflag:s15] =	ssyncadd.s32 $0xFFFFC000  }
0x24: {  	[spmem:s6] =	stream.linear.scatter [tilespmem:s14], [sflag:$0x1], $0x4000, $0x38;
	[tilespmem:$0x1D000] =	vst v63  }
0x25: {  	_ =	swait.ge [sflag:s15], $0x4000  }
0x26: {  	[sflag:s15] =	ssyncset.done $0x0  }
0x27: {  	[sflag:s15] =	ssyncadd.s32 $0xFFFFC000  }
0x28: {  	[spmem:s7] =	stream.linear.scatter [tilespmem:s14], [sflag:$0x1], $0x4000, $0x38;
	[tilespmem:$0x1D000] =	vst v63  }
0x29: {  	_ =	swait.ge [sflag:s15], $0x4000  }
0x2a: {  	[sflag:s15] =	ssyncset.done $0x0  }
0x2b: {  	[sflag:s15] =	ssyncadd.s32 $0xFFFFC000  }
0x2c: {  	[spmem:s8] =	stream.linear.scatter [tilespmem:s14], [sflag:$0x1], $0x4000, $0x38;
	[tilespmem:$0x1D000] =	vst v63  }
0x2d: {  	_ =	swait.ge [sflag:s15], $0x4000  }
0x2e: {  	[sflag:s15] =	ssyncset.done $0x0  }
0x2f: {  	[sflag:s15] =	ssyncadd.s32 $0xFFFFC000  }
0x30: {  	[spmem:s9] =	stream.linear.scatter [tilespmem:s14], [sflag:$0x1], $0x4000, $0x38;
	[tilespmem:$0x1D000] =	vst v63  }
0x31: {  	_ =	swait.ge [sflag:s15], $0x4000  }
0x32: {  	[sflag:s15] =	ssyncset.done $0x0  }
0x33: {  	[sflag:s15] =	ssyncadd.s32 $0xFFFFC000  }
0x34: {  	s29 =	simm.s32 $0x0;
	[bflag:$0x0] =	sbarrier.arrive $0xFFFF  }
0x35: {  	[tilespmem:s29], [sflag:$0x1] =	stream.linear.gather [hbm4b:s10+s29], $0x2780, $0x38;
	[tilespmem:$0x1D000] =	vst v63  }
0x36: {  	_ =	swait.ge [sflag:s15], $0x2780  }
0x37: {  	[sflag:s15] =	ssyncset.done $0x0  }
0x38: {  	[sflag:s15] =	ssyncadd.s32 $0xFFFFD880  }
0x39: {  	[tilespmem:s16], [sflag:$0x1] =	stream.linear.gather [hbm4b:s11+s29], $0x2780, $0x38;
	[tilespmem:$0x1D000] =	vst v63  }
0x3a: {  	_ =	swait.ge [sflag:s15], $0x2780  }
0x3b: {  	[sflag:s15] =	ssyncset.done $0x0  }
0x3c: {  	s30 =	simm.s32 $0x0;
	[sflag:s15] =	ssyncadd.s32 $0xFFFFD880  }
0x3d: {  	[tilespmem:s14], [sflag:$0x1] =	stream.indirect.gather [hbm4b:s1+s17], $0x80, s30, s17, $0xb8;
	[tilespmem:$0x1D000] =	vst v63  }
0x3e: {  	_ =	swait.ge [sflag:s15], $0x4000  }
0x3f: {  	[sflag:s15] =	ssyncset.done $0x0  }
0x40: {  	s31 =	simm.s32 $0x2800;
	[sflag:s15] =	ssyncadd.s32 $0xFFFFC000  }
0x41: {  	[spmem:s3] =	stream.indirect.scatter.add.f32 [tilespmem:s14], [sflag:$0x1], $0x80, s31, s17, $0xb8;
	[tilespmem:$0x1D000] =	vst v63  }
0x42: {  	_ =	swait.ge [sflag:s15], $0x4000  }
0x43: {  	s20 =	simm.s32 $0x200;
	s21 =	simm.s32 $0x400;
	[sflag:s15] =	ssyncset.done $0x0  }
.LBB2_4:
0x44: {  	s22 =	sshra.s32 s20, $0x2  }
0x45: {  	[sflag:s15] =	ssyncadd.s32 $0xFFFFC000;
	s20 =	smov.u32 s21;
	s23 =	sadd.s32 $0x200, s21  }
0x46: {  	[tilespmem:s14], [sflag:$0x1] =	stream.indirect.gather [hbm4b:s1+s17], $0x80, s22, s17, $0xb8;
	[tilespmem:$0x1D000] =	vst v63  }
0x47: {  	p0 =	sne.s32 s21, $0x9C00;
	_ =	swait.ge [sflag:s15], $0x4000  }
.Ltmp1:
0x48: {  	[sflag:s15] =	ssyncset.done $0x0;
	(pc) =	sbr.rel @p0 .LBB2_4-.Ltmp1, $4  }
0x49: {  	s21 =	sadd.s32 $0x2800, s22;
	[sflag:s15] =	ssyncadd.s32 $0xFFFFC000  }
0x4a: {  	[spmem:s3] =	stream.indirect.scatter.add.f32 [tilespmem:s14], [sflag:$0x1], $0x80, s21, s17, $0xb8;
	[tilespmem:$0x1D000] =	vst v63  }
0x4b: {  	_ =	swait.ge [sflag:s15], $0x4000  }
0x4c: {  	s21 =	smov.u32 s23;
	[sflag:s15] =	ssyncset.done $0x0  }
0x4d: {  	s20 =	sshra.s32 s20, $0x2;
	[sflag:s15] =	ssyncadd.s32 $0xFFFFC000  }
0x4e: {  	[tilespmem:s14], [sflag:$0x1] =	stream.indirect.gather [hbm4b:s1+s17], $0x80, s20, s17, $0xb8;
	[tilespmem:$0x1D000] =	vst v63  }
0x4f: {  	_ =	swait.ge [sflag:s15], $0x4000  }
0x50: {  	[sflag:s15] =	ssyncset.done $0x0  }
0x51: {  	s20 =	sadd.s32 $0x2800, s20;
	[sflag:s15] =	ssyncadd.s32 $0xFFFFC000  }
0x52: {  	[spmem:s3] =	stream.indirect.scatter.add.f32 [tilespmem:s14], [sflag:$0x1], $0x80, s20, s17, $0xb8;
	[tilespmem:$0x1D000] =	vst v63  }
0x53: {  	_ =	swait.ge [sflag:s15], $0x4000  }
0x54: {  	s4 =	sadd.s32 $0x1, s4;
	[sflag:s15] =	ssyncset.done $0x0  }
0x55: {  	p0 =	sne.s32 s4, s13;
	[sflag:s15] =	ssyncadd.s32 $0xFFFFC000  }
.Ltmp2:
0x56: {  	[bflag:$0x0] =	sbarrier.arrive $0xFFFF;
	(pc) =	sbr.rel @p0 .LBB2_1-.Ltmp2, $4  }
0x57: {  	[hbm:s12], [sflag:s18] =	dma.local [spmem:s19], $0x2800  }
0x58: {  	_ =	swait.ge [sflag:s15], $0x2800  }
0x59: {  	[sflag:s15] =	ssyncset.done $0x0  }
0x5a: {  	[sflag:s15] =	ssyncadd.s32 $0xFFFFD800  }
0x5b: {  	_ =	sfence.sel $0x180000  }
0x5c: {  	[bflag:$0x0] =	sbarrier.arrive $0xFFFF  }
0x5d: {  	p0 =	sne.s32 s0, $0x0;
	_ =	strace $0x9000004A  }
0x5e: {  	s0 =	sadd.s32 @!p0 $0x100000, s2;
	[bflag:$0x2] =	sbarrier.arrive $0xFFFF  }
0x5f: {  	[sflag:s0] =	ssyncadd.tile.s32 @!p0 $0x1;
	_ =	shalt  }
.Lfunc_end2:
_tile_overlayer_lowered:
.L_overlay_start_2:
0x60: {  	(tag) =	ssettag $0x2  }
0x61: {  	s0 =	rddreg [dreg:$0x0];
	s2 =	stileid.u32  }
0x62: {  	s1 =	rddreg [dreg:$0x1];
	p0 =	sne.s32 s2, $0x0  }
0x63: {  	s3 =	rddreg [dreg:$0x2];
	[bflag:$0x3] =	sbarrier.arrive $0xFFFF;
	s2 =	simm.s32 @!p0 $0x1C01  }
0x64: {  	[timem:s3], [sflag:s2] =	dma.local @!p0 [hbm:s0], s1  }
0x65: {  	s0 =	simm.s32 @!p0 $0x1  }
0x66: {  	_ =	swait.ge @!p0 [sflag:s0], s1  }
0x67: {  	s1 =	ssub.s32 @!p0 $0x0, s1;
	[sflag:s0] =	ssyncset.done @!p0 $0x0  }
0x68: {  	[sflag:s0] =	ssyncadd.s32 @!p0 s1  }
0x69: {  	[bflag:$0x3] =	sbarrier.arrive $0xFFFF  }
0x6a: {  	_ =	shalt  }

</sc_bundles>
